<compile_context>
chip_gen: v7x
topology: tpu7x:2x2x1
jax: 0.10.2.dev20260603
libtpu: 0.0.44.dev20260713+nightly
codegen_flags: <defaults>
</compile_context>

<pallas_src>
import jax
import jax.numpy as jnp
from jax import lax
from jax.experimental import pallas as pl
from jax.experimental.pallas import tpu as pltpu
from jax.experimental.pallas import tpu_sc as plsc

NUM_FUNCS = 32
TABLE_ROWS = 256
LANES = 16

_ROWS = 16384
_COLS = 100
_OUT_COLS = _COLS * NUM_FUNCS
_NW = 32
_ROWS_W = _ROWS // _NW
_CROWS = 16
_CHUNK = _CROWS * _COLS
_NCHUNK = _ROWS_W // _CROWS
_NBUF = 2


def _rbf_kernel(table_hbm, idx_hbm, out_hbm, table_v, idx_v0, idx_v1,
                out_v0, out_v1, si0, si1, so0, so1):
    wid = lax.axis_index("s") * 2 + lax.axis_index("c")
    wrow = wid * _ROWS_W
    idx_v = [idx_v0, idx_v1]
    out_v = [out_v0, out_v1]
    si = [si0, si1]
    so = [so0, so1]

    pltpu.sync_copy(table_hbm, table_v)

    lane = lax.iota(jnp.int32, LANES)

    def in_copy(b, g):
        r0 = wrow + g * _CROWS
        return pltpu.make_async_copy(
            idx_hbm.at[pl.ds(r0, _CROWS), :], idx_v[b], si[b])

    def out_copy(b, g):
        r0 = wrow + g * _CROWS
        return pltpu.make_async_copy(
            out_v[b], out_hbm.at[pl.ds(r0, _CROWS), :], so[b])

    for b in range(_NBUF):
        in_copy(b, b).start()

    def outer_body(o, carry):
        for b in range(_NBUF):
            g = o * _NBUF + b
            in_copy(b, g).wait()

            @pl.when(o > 0)
            def _wait_out():
                out_copy(b, g - _NBUF).wait()

            @plsc.parallel_loop(0, _CHUNK // (4 * LANES))
            def group_body(i):
                quads = []
                for h in range(4):
                    e = i * (4 * LANES) + h * LANES + lane
                    ri = (e * 5243) >> 19
                    c = e - ri * _COLS
                    r = plsc.load_gather(idx_v[b], [ri, c])
                    r = jnp.minimum(jnp.maximum(r, 0), TABLE_ROWS - 1)
                    quads.append((ri, c * NUM_FUNCS, r * NUM_FUNCS))

                @plsc.parallel_loop(0, NUM_FUNCS, unroll=4)
                def kbody(k):
                    jv = (lane + k) & (NUM_FUNCS - 1)
                    for ri, c32, r32 in quads:
                        vals = plsc.load_gather(table_v, [r32 + jv])
                        plsc.store_scatter(out_v[b], [ri, c32 + jv], vals)

            out_copy(b, g).start()

            @pl.when(o < _NCHUNK // _NBUF - 1)
            def _prefetch():
                in_copy(b, g + _NBUF).start()

        return carry

    lax.fori_loop(0, _NCHUNK // _NBUF, outer_body, 0)
    for b in range(_NBUF):
        out_copy(b, _NCHUNK - _NBUF + b).wait()


def kernel(tensor, int_to_feat_matrix, extra_embeddings):
    orig_shape = tensor.shape
    table = jnp.concatenate([int_to_feat_matrix, extra_embeddings], axis=0)
    table_flat = table.reshape(-1)
    idx = tensor.astype(jnp.int32)

    mesh = plsc.VectorSubcoreMesh(core_axis_name="c", subcore_axis_name="s")
    run = pl.kernel(
        _rbf_kernel,
        mesh=mesh,
        out_type=jax.ShapeDtypeStruct((_ROWS, _OUT_COLS), jnp.float32),
        scratch_types=[
            pltpu.VMEM((TABLE_ROWS * NUM_FUNCS,), jnp.float32),
            pltpu.VMEM((_CROWS, _COLS), jnp.int32),
            pltpu.VMEM((_CROWS, _COLS), jnp.int32),
            pltpu.VMEM((_CROWS, _OUT_COLS), jnp.float32),
            pltpu.VMEM((_CROWS, _OUT_COLS), jnp.float32),
            pltpu.SemaphoreType.DMA,
            pltpu.SemaphoreType.DMA,
            pltpu.SemaphoreType.DMA,
            pltpu.SemaphoreType.DMA,
        ],
        compiler_params=pltpu.CompilerParams(needs_layout_passes=False),
    )
    out = run(table_flat, idx)
    return out.reshape(*orig_shape[:-1], orig_shape[-1] * NUM_FUNCS)

# --- scband reference (transcript-rebuilt; emitter-appended) ---
"""Pipeline reference for scband-rbffeaturizer-9826885173958 (READ-ONLY COPY).

The authoritative reference and input builder live on the scoring server;
editing this copy changes nothing except your own understanding.
"""

import jax, jax.numpy as jnp
import numpy as np

MAX_COUNT_INT = 255
NUM_FUNCS = 32


def setup_inputs(seed: int = 0) -> dict:
    key = jax.random.key(seed)
    k1, k2 = jax.random.split(key)
    # integer count features in [0, 256): values >= 255 use the extra embedding
    tensor = jax.random.randint(k1, (16384, 100), 0, 256, dtype=jnp.int32)
    # RBF feature matrix (frozen buffer in the torch module)
    width = (MAX_COUNT_INT - 1) / NUM_FUNCS
    centers = jnp.linspace(0.0, MAX_COUNT_INT - 1, NUM_FUNCS)
    pre = -0.5 * ((jnp.arange(MAX_COUNT_INT, dtype=jnp.float32)[:, None] - centers[None, :]) / width) ** 2
    int_to_feat_matrix = jnp.exp(pre).astype(jnp.float32)
    # extra embeddings: nn.init.normal_(w, 0, 1), shape [NUM_EXTRA_EMBEDDINGS=1, 32]
    extra_embeddings = jax.random.normal(k2, (1, NUM_FUNCS), dtype=jnp.float32)
    return {
        "tensor": tensor,
        "int_to_feat_matrix": int_to_feat_matrix,
        "extra_embeddings": extra_embeddings,
    }


def reference(tensor, int_to_feat_matrix, extra_embeddings):
    orig_shape = tensor.shape
    extra_mask = tensor >= MAX_COUNT_INT
    t = tensor.astype(jnp.int32)
    # gather normal RBF features for entries < MAX_COUNT_INT
    norm_embeds = jnp.take(int_to_feat_matrix, jnp.clip(t, 0, MAX_COUNT_INT - 1), axis=0)
    # gather extra embeddings for entries >= MAX_COUNT_INT (index t - 255)
    extra_embeds = jnp.take(extra_embeddings, jnp.clip(t - MAX_COUNT_INT, 0, 0), axis=0)
    out = jnp.where(extra_mask[..., None], extra_embeds, norm_embeds)
    # reshape(*orig_shape[:-1], -1): fold last input dim with embedding_dim
    return out.reshape(*orig_shape[:-1], -1)

if __name__ == "__main__":
    import jax
    _d = setup_inputs()
    print(jax.jit(kernel)(*tuple(_d.values())))

</pallas_src>

<mosaic_0001>
#map = affine_map<(d0, d1) -> (0)>
#map1 = affine_map<(d0, d1) -> (0, 0)>
module attributes {stable_mosaic.version = 14 : i64} {
  func.func @_rbf_kernel(%arg0: i32, %arg1: i32, %arg2: memref<8192xf32, #tpu.memory_space<hbm>>, %arg3: memref<16384x100xi32, #tpu.memory_space<hbm>>, %arg4: memref<16384x3200xf32, #tpu.memory_space<hbm>>, %arg5: memref<8192xf32, #tpu.memory_space<vmem>>, %arg6: memref<16x100xi32, #tpu.memory_space<vmem>>, %arg7: memref<16x100xi32, #tpu.memory_space<vmem>>, %arg8: memref<16x3200xf32, #tpu.memory_space<vmem>>, %arg9: memref<16x3200xf32, #tpu.memory_space<vmem>>, %arg10: memref<!tpu.dma_semaphore, #tpu.memory_space<semaphore_mem>>, %arg11: memref<!tpu.dma_semaphore, #tpu.memory_space<semaphore_mem>>, %arg12: memref<!tpu.dma_semaphore, #tpu.memory_space<semaphore_mem>>, %arg13: memref<!tpu.dma_semaphore, #tpu.memory_space<semaphore_mem>>) attributes {dimension_semantics = [#tpu.dimension_semantics<core_parallel>, #tpu.dimension_semantics<subcore_parallel>], iteration_bounds = array<i64: 2, 16>, scalar_prefetch = 0 : i64, scratch_operands = 9 : i64, tpu.core_type = #tpu.core_type<sc_vector_subcore>, window_params = [{transform_indices = #map}, {transform_indices = #map1}, {transform_indices = #map1}]} {
    %mul3A = arith.constant 2 : i32
    %mul3A_0 = arith.muli %arg1, %mul3A : i32
    %add3A = arith.addi %mul3A_0, %arg0 : i32
    %mul3A_1 = arith.constant 512 : i32
    %mul3A_2 = arith.muli %add3A, %mul3A_1 : i32
    "tpu.region"() ({
      %run_scoped3A = tpu.sem_alloc : memref<!tpu.dma_semaphore, #tpu.memory_space<semaphore_mem>>
      tpu.enqueue_dma source(%arg2 : memref<8192xf32, #tpu.memory_space<hbm>>) target(%arg5 : memref<8192xf32, #tpu.memory_space<vmem>>) target_semaphore(%run_scoped3A : memref<!tpu.dma_semaphore, #tpu.memory_space<semaphore_mem>>)
      tpu.wait_dma2 semaphore(%run_scoped3A : memref<!tpu.dma_semaphore, #tpu.memory_space<semaphore_mem>>) src(%arg2 : memref<8192xf32, #tpu.memory_space<hbm>>) dst(%arg5 : memref<8192xf32, #tpu.memory_space<vmem>>)
      tpu.yield
    }) : () -> ()
    %iota3A = tpu.iota {dimensions = array<i32: 0>} : vector<16xi32>
    %add3A_3 = arith.constant 0 : i32
    %add3A_4 = arith.addi %mul3A_2, %add3A_3 : i32
    %dma_start3A = arith.constant 0 : i32
    %dma_start3A_5 = tpu.memref_slice %arg3[%add3A_4, %dma_start3A] : memref<16384x100xi32, #tpu.memory_space<hbm>> -> memref<16x100xi32, #tpu.memory_space<hbm>>
    %dma_start3A_6 = arith.constant 0 : i32
    %dma_start3A_7 = tpu.memref_slice %arg3[%add3A_4, %dma_start3A_6] : memref<16384x100xi32, #tpu.memory_space<hbm>> -> memref<16x100xi32, #tpu.memory_space<hbm>>
    tpu.enqueue_dma source(%dma_start3A_7 : memref<16x100xi32, #tpu.memory_space<hbm>>) target(%arg6 : memref<16x100xi32, #tpu.memory_space<vmem>>) target_semaphore(%arg10 : memref<!tpu.dma_semaphore, #tpu.memory_space<semaphore_mem>>)
    %add3A_8 = arith.constant 16 : i32
    %add3A_9 = arith.addi %mul3A_2, %add3A_8 : i32
    %dma_start3A_10 = arith.constant 0 : i32
    %dma_start3A_11 = tpu.memref_slice %arg3[%add3A_9, %dma_start3A_10] : memref<16384x100xi32, #tpu.memory_space<hbm>> -> memref<16x100xi32, #tpu.memory_space<hbm>>
    %dma_start3A_12 = arith.constant 0 : i32
    %dma_start3A_13 = tpu.memref_slice %arg3[%add3A_9, %dma_start3A_12] : memref<16384x100xi32, #tpu.memory_space<hbm>> -> memref<16x100xi32, #tpu.memory_space<hbm>>
    tpu.enqueue_dma source(%dma_start3A_13 : memref<16x100xi32, #tpu.memory_space<hbm>>) target(%arg7 : memref<16x100xi32, #tpu.memory_space<vmem>>) target_semaphore(%arg11 : memref<!tpu.dma_semaphore, #tpu.memory_space<semaphore_mem>>)
    %scan3A = arith.constant 0 : i32
    %scan3A_14 = arith.constant 0 : i32
    %scan3A_15 = arith.constant 16 : i32
    %scan3A_16 = arith.addi %scan3A_14, %scan3A_15 : i32
    %scan3A_17 = arith.constant 1 : i32
    scf.for %scan3A_30 = %scan3A_14 to %scan3A_16 step %scan3A_17  : i32 {
      %mul3A_31 = arith.constant 2 : i32
      %mul3A_32 = arith.muli %scan3A_30, %mul3A_31 : i32
      %add3A_33 = arith.constant 0 : i32
      %add3A_34 = arith.addi %mul3A_32, %add3A_33 : i32
      %mul3A_35 = arith.constant 16 : i32
      %mul3A_36 = arith.muli %add3A_34, %mul3A_35 : i32
      %add3A_37 = arith.addi %mul3A_2, %mul3A_36 : i32
      %dma_wait3A_38 = arith.constant 0 : i32
      %dma_wait3A_39 = tpu.memref_slice %arg3[%add3A_37, %dma_wait3A_38] : memref<16384x100xi32, #tpu.memory_space<hbm>> -> memref<16x100xi32, #tpu.memory_space<hbm>>
      %dma_wait3A_40 = arith.constant 0 : i32
      %dma_wait3A_41 = tpu.memref_slice %arg3[%add3A_37, %dma_wait3A_40] : memref<16384x100xi32, #tpu.memory_space<hbm>> -> memref<16x100xi32, #tpu.memory_space<hbm>>
      tpu.wait_dma2 semaphore(%arg10 : memref<!tpu.dma_semaphore, #tpu.memory_space<semaphore_mem>>) src(%dma_wait3A_41 : memref<16x100xi32, #tpu.memory_space<hbm>>) dst(%arg6 : memref<16x100xi32, #tpu.memory_space<vmem>>)
      %gt3A = arith.constant 0 : i32
      %gt3A_42 = arith.cmpi sgt, %scan3A_30, %gt3A : i32
      %convert_element_type3A = arith.extui %gt3A_42 : i1 to i32
      %cond3A = arith.constant 0 : i32
      %cond3A_43 = arith.cmpi ne, %convert_element_type3A, %cond3A : i32
      scf.if %cond3A_43 {
        %sub3A = arith.constant 2 : i32
        %sub3A_88 = arith.subi %add3A_34, %sub3A : i32
        %mul3A_89 = arith.constant 16 : i32
        %mul3A_90 = arith.muli %sub3A_88, %mul3A_89 : i32
        %add3A_91 = arith.addi %mul3A_2, %mul3A_90 : i32
        %dma_wait3A_92 = arith.constant 0 : i32
        %dma_wait3A_93 = tpu.memref_slice %arg4[%add3A_91, %dma_wait3A_92] : memref<16384x3200xf32, #tpu.memory_space<hbm>> -> memref<16x3200xf32, #tpu.memory_space<hbm>>
        %dma_wait3A_94 = arith.constant 0 : i32
        %dma_wait3A_95 = tpu.memref_slice %arg4[%add3A_91, %dma_wait3A_94] : memref<16384x3200xf32, #tpu.memory_space<hbm>> -> memref<16x3200xf32, #tpu.memory_space<hbm>>
        tpu.wait_dma2 semaphore(%arg12 : memref<!tpu.dma_semaphore, #tpu.memory_space<semaphore_mem>>) src(%arg8 : memref<16x3200xf32, #tpu.memory_space<vmem>>) dst(%dma_wait3A_95 : memref<16x3200xf32, #tpu.memory_space<hbm>>)
      } else {
      }
      %parallel_loop3A = arith.constant 0 : i32
      %parallel_loop3A_44 = arith.constant 25 : i32
      %parallel_loop3A_45 = arith.constant 1 : i32
      scf.for %parallel_loop3A_88 = %parallel_loop3A to %parallel_loop3A_44 step %parallel_loop3A_45  : i32 {
        %parallel_loop3A_89 = arith.constant 64 : i32
        %parallel_loop3A_90 = arith.muli %parallel_loop3A_88, %parallel_loop3A_89 : i32
        %parallel_loop3A_91 = arith.constant 0 : i32
        %parallel_loop3A_92 = arith.addi %parallel_loop3A_90, %parallel_loop3A_91 : i32
        %parallel_loop3A_93 = vector.broadcast %parallel_loop3A_92 : i32 to vector<16xi32>
        %parallel_loop3A_94 = arith.addi %parallel_loop3A_93, %iota3A : vector<16xi32>
        %parallel_loop3A_95 = arith.constant 5243 : i32
        %parallel_loop3A_96 = vector.broadcast %parallel_loop3A_95 : i32 to vector<16xi32>
        %parallel_loop3A_97 = arith.muli %parallel_loop3A_94, %parallel_loop3A_96 : vector<16xi32>
        %parallel_loop3A_98 = arith.constant 19 : i32
        %parallel_loop3A_99 = vector.broadcast %parallel_loop3A_98 : i32 to vector<16xi32>
        %parallel_loop3A_100 = arith.shrsi %parallel_loop3A_97, %parallel_loop3A_99 : vector<16xi32>
        %parallel_loop3A_101 = arith.constant 100 : i32
        %parallel_loop3A_102 = vector.broadcast %parallel_loop3A_101 : i32 to vector<16xi32>
        %parallel_loop3A_103 = arith.muli %parallel_loop3A_100, %parallel_loop3A_102 : vector<16xi32>
        %parallel_loop3A_104 = arith.subi %parallel_loop3A_94, %parallel_loop3A_103 : vector<16xi32>
        %parallel_loop3A_105 = tpu.vector_load_idx %arg6[%parallel_loop3A_100, %parallel_loop3A_104] : memref<16x100xi32, #tpu.memory_space<vmem>>[vector<16xi32>, vector<16xi32>], vector<16xi32>,
        %parallel_loop3A_106 = arith.constant 0 : i32
        %parallel_loop3A_107 = vector.broadcast %parallel_loop3A_106 : i32 to vector<16xi32>
        %parallel_loop3A_108 = arith.maxsi %parallel_loop3A_105, %parallel_loop3A_107 : vector<16xi32>
        %parallel_loop3A_109 = arith.constant 255 : i32
        %parallel_loop3A_110 = vector.broadcast %parallel_loop3A_109 : i32 to vector<16xi32>
        %parallel_loop3A_111 = arith.minsi %parallel_loop3A_108, %parallel_loop3A_110 : vector<16xi32>
        %parallel_loop3A_112 = arith.constant 32 : i32
        %parallel_loop3A_113 = vector.broadcast %parallel_loop3A_112 : i32 to vector<16xi32>
        %parallel_loop3A_114 = arith.muli %parallel_loop3A_104, %parallel_loop3A_113 : vector<16xi32>
        %parallel_loop3A_115 = arith.constant 32 : i32
        %parallel_loop3A_116 = vector.broadcast %parallel_loop3A_115 : i32 to vector<16xi32>
        %parallel_loop3A_117 = arith.muli %parallel_loop3A_111, %parallel_loop3A_116 : vector<16xi32>
        %parallel_loop3A_118 = arith.constant 64 : i32
        %parallel_loop3A_119 = arith.muli %parallel_loop3A_88, %parallel_loop3A_118 : i32
        %parallel_loop3A_120 = arith.constant 16 : i32
        %parallel_loop3A_121 = arith.addi %parallel_loop3A_119, %parallel_loop3A_120 : i32
        %parallel_loop3A_122 = vector.broadcast %parallel_loop3A_121 : i32 to vector<16xi32>
        %parallel_loop3A_123 = arith.addi %parallel_loop3A_122, %iota3A : vector<16xi32>
        %parallel_loop3A_124 = arith.constant 5243 : i32
        %parallel_loop3A_125 = vector.broadcast %parallel_loop3A_124 : i32 to vector<16xi32>
        %parallel_loop3A_126 = arith.muli %parallel_loop3A_123, %parallel_loop3A_125 : vector<16xi32>
        %parallel_loop3A_127 = arith.constant 19 : i32
        %parallel_loop3A_128 = vector.broadcast %parallel_loop3A_127 : i32 to vector<16xi32>
        %parallel_loop3A_129 = arith.shrsi %parallel_loop3A_126, %parallel_loop3A_128 : vector<16xi32>
        %parallel_loop3A_130 = arith.constant 100 : i32
        %parallel_loop3A_131 = vector.broadcast %parallel_loop3A_130 : i32 to vector<16xi32>
        %parallel_loop3A_132 = arith.muli %parallel_loop3A_129, %parallel_loop3A_131 : vector<16xi32>
        %parallel_loop3A_133 = arith.subi %parallel_loop3A_123, %parallel_loop3A_132 : vector<16xi32>
        %parallel_loop3A_134 = tpu.vector_load_idx %arg6[%parallel_loop3A_129, %parallel_loop3A_133] : memref<16x100xi32, #tpu.memory_space<vmem>>[vector<16xi32>, vector<16xi32>], vector<16xi32>,
        %parallel_loop3A_135 = arith.constant 0 : i32
        %parallel_loop3A_136 = vector.broadcast %parallel_loop3A_135 : i32 to vector<16xi32>
        %parallel_loop3A_137 = arith.maxsi %parallel_loop3A_134, %parallel_loop3A_136 : vector<16xi32>
        %parallel_loop3A_138 = arith.constant 255 : i32
        %parallel_loop3A_139 = vector.broadcast %parallel_loop3A_138 : i32 to vector<16xi32>
        %parallel_loop3A_140 = arith.minsi %parallel_loop3A_137, %parallel_loop3A_139 : vector<16xi32>
        %parallel_loop3A_141 = arith.constant 32 : i32
        %parallel_loop3A_142 = vector.broadcast %parallel_loop3A_141 : i32 to vector<16xi32>
        %parallel_loop3A_143 = arith.muli %parallel_loop3A_133, %parallel_loop3A_142 : vector<16xi32>
        %parallel_loop3A_144 = arith.constant 32 : i32
        %parallel_loop3A_145 = vector.broadcast %parallel_loop3A_144 : i32 to vector<16xi32>
        %parallel_loop3A_146 = arith.muli %parallel_loop3A_140, %parallel_loop3A_145 : vector<16xi32>
        %parallel_loop3A_147 = arith.constant 64 : i32
        %parallel_loop3A_148 = arith.muli %parallel_loop3A_88, %parallel_loop3A_147 : i32
        %parallel_loop3A_149 = arith.constant 32 : i32
        %parallel_loop3A_150 = arith.addi %parallel_loop3A_148, %parallel_loop3A_149 : i32
        %parallel_loop3A_151 = vector.broadcast %parallel_loop3A_150 : i32 to vector<16xi32>
        %parallel_loop3A_152 = arith.addi %parallel_loop3A_151, %iota3A : vector<16xi32>
        %parallel_loop3A_153 = arith.constant 5243 : i32
        %parallel_loop3A_154 = vector.broadcast %parallel_loop3A_153 : i32 to vector<16xi32>
        %parallel_loop3A_155 = arith.muli %parallel_loop3A_152, %parallel_loop3A_154 : vector<16xi32>
        %parallel_loop3A_156 = arith.constant 19 : i32
        %parallel_loop3A_157 = vector.broadcast %parallel_loop3A_156 : i32 to vector<16xi32>
        %parallel_loop3A_158 = arith.shrsi %parallel_loop3A_155, %parallel_loop3A_157 : vector<16xi32>
        %parallel_loop3A_159 = arith.constant 100 : i32
        %parallel_loop3A_160 = vector.broadcast %parallel_loop3A_159 : i32 to vector<16xi32>
        %parallel_loop3A_161 = arith.muli %parallel_loop3A_158, %parallel_loop3A_160 : vector<16xi32>
        %parallel_loop3A_162 = arith.subi %parallel_loop3A_152, %parallel_loop3A_161 : vector<16xi32>
        %parallel_loop3A_163 = tpu.vector_load_idx %arg6[%parallel_loop3A_158, %parallel_loop3A_162] : memref<16x100xi32, #tpu.memory_space<vmem>>[vector<16xi32>, vector<16xi32>], vector<16xi32>,
        %parallel_loop3A_164 = arith.constant 0 : i32
        %parallel_loop3A_165 = vector.broadcast %parallel_loop3A_164 : i32 to vector<16xi32>
        %parallel_loop3A_166 = arith.maxsi %parallel_loop3A_163, %parallel_loop3A_165 : vector<16xi32>
        %parallel_loop3A_167 = arith.constant 255 : i32
        %parallel_loop3A_168 = vector.broadcast %parallel_loop3A_167 : i32 to vector<16xi32>
        %parallel_loop3A_169 = arith.minsi %parallel_loop3A_166, %parallel_loop3A_168 : vector<16xi32>
        %parallel_loop3A_170 = arith.constant 32 : i32
        %parallel_loop3A_171 = vector.broadcast %parallel_loop3A_170 : i32 to vector<16xi32>
        %parallel_loop3A_172 = arith.muli %parallel_loop3A_162, %parallel_loop3A_171 : vector<16xi32>
        %parallel_loop3A_173 = arith.constant 32 : i32
        %parallel_loop3A_174 = vector.broadcast %parallel_loop3A_173 : i32 to vector<16xi32>
        %parallel_loop3A_175 = arith.muli %parallel_loop3A_169, %parallel_loop3A_174 : vector<16xi32>
        %parallel_loop3A_176 = arith.constant 64 : i32
        %parallel_loop3A_177 = arith.muli %parallel_loop3A_88, %parallel_loop3A_176 : i32
        %parallel_loop3A_178 = arith.constant 48 : i32
        %parallel_loop3A_179 = arith.addi %parallel_loop3A_177, %parallel_loop3A_178 : i32
        %parallel_loop3A_180 = vector.broadcast %parallel_loop3A_179 : i32 to vector<16xi32>
        %parallel_loop3A_181 = arith.addi %parallel_loop3A_180, %iota3A : vector<16xi32>
        %parallel_loop3A_182 = arith.constant 5243 : i32
        %parallel_loop3A_183 = vector.broadcast %parallel_loop3A_182 : i32 to vector<16xi32>
        %parallel_loop3A_184 = arith.muli %parallel_loop3A_181, %parallel_loop3A_183 : vector<16xi32>
        %parallel_loop3A_185 = arith.constant 19 : i32
        %parallel_loop3A_186 = vector.broadcast %parallel_loop3A_185 : i32 to vector<16xi32>
        %parallel_loop3A_187 = arith.shrsi %parallel_loop3A_184, %parallel_loop3A_186 : vector<16xi32>
        %parallel_loop3A_188 = arith.constant 100 : i32
        %parallel_loop3A_189 = vector.broadcast %parallel_loop3A_188 : i32 to vector<16xi32>
        %parallel_loop3A_190 = arith.muli %parallel_loop3A_187, %parallel_loop3A_189 : vector<16xi32>
        %parallel_loop3A_191 = arith.subi %parallel_loop3A_181, %parallel_loop3A_190 : vector<16xi32>
        %parallel_loop3A_192 = tpu.vector_load_idx %arg6[%parallel_loop3A_187, %parallel_loop3A_191] : memref<16x100xi32, #tpu.memory_space<vmem>>[vector<16xi32>, vector<16xi32>], vector<16xi32>,
        %parallel_loop3A_193 = arith.constant 0 : i32
        %parallel_loop3A_194 = vector.broadcast %parallel_loop3A_193 : i32 to vector<16xi32>
        %parallel_loop3A_195 = arith.maxsi %parallel_loop3A_192, %parallel_loop3A_194 : vector<16xi32>
        %parallel_loop3A_196 = arith.constant 255 : i32
        %parallel_loop3A_197 = vector.broadcast %parallel_loop3A_196 : i32 to vector<16xi32>
        %parallel_loop3A_198 = arith.minsi %parallel_loop3A_195, %parallel_loop3A_197 : vector<16xi32>
        %parallel_loop3A_199 = arith.constant 32 : i32
        %parallel_loop3A_200 = vector.broadcast %parallel_loop3A_199 : i32 to vector<16xi32>
        %parallel_loop3A_201 = arith.muli %parallel_loop3A_191, %parallel_loop3A_200 : vector<16xi32>
        %parallel_loop3A_202 = arith.constant 32 : i32
        %parallel_loop3A_203 = vector.broadcast %parallel_loop3A_202 : i32 to vector<16xi32>
        %parallel_loop3A_204 = arith.muli %parallel_loop3A_198, %parallel_loop3A_203 : vector<16xi32>
        %parallel_loop3A_205 = arith.constant 0 : i32
        %parallel_loop3A_206 = arith.constant 32 : i32
        %parallel_loop3A_207 = arith.constant 1 : i32
        scf.for %parallel_loop3A_208 = %parallel_loop3A_205 to %parallel_loop3A_206 step %parallel_loop3A_207  : i32 {
          %parallel_loop3A_209 = vector.broadcast %parallel_loop3A_208 : i32 to vector<16xi32>
          %parallel_loop3A_210 = arith.addi %iota3A, %parallel_loop3A_209 : vector<16xi32>
          %parallel_loop3A_211 = arith.constant 31 : i32
          %parallel_loop3A_212 = vector.broadcast %parallel_loop3A_211 : i32 to vector<16xi32>
          %parallel_loop3A_213 = arith.andi %parallel_loop3A_210, %parallel_loop3A_212 : vector<16xi32>
          %parallel_loop3A_214 = arith.addi %parallel_loop3A_117, %parallel_loop3A_213 : vector<16xi32>
          %parallel_loop3A_215 = tpu.vector_load_idx %arg5[%parallel_loop3A_214] : memref<8192xf32, #tpu.memory_space<vmem>>[vector<16xi32>], vector<16xf32>,
          %parallel_loop3A_216 = arith.addi %parallel_loop3A_114, %parallel_loop3A_213 : vector<16xi32>
          tpu.vector_store_idx %arg8[%parallel_loop3A_100, %parallel_loop3A_216], %parallel_loop3A_215 : memref<16x3200xf32, #tpu.memory_space<vmem>>[vector<16xi32>, vector<16xi32>], vector<16xf32>,
          %parallel_loop3A_217 = arith.addi %parallel_loop3A_146, %parallel_loop3A_213 : vector<16xi32>
          %parallel_loop3A_218 = tpu.vector_load_idx %arg5[%parallel_loop3A_217] : memref<8192xf32, #tpu.memory_space<vmem>>[vector<16xi32>], vector<16xf32>,
          %parallel_loop3A_219 = arith.addi %parallel_loop3A_143, %parallel_loop3A_213 : vector<16xi32>
          tpu.vector_store_idx %arg8[%parallel_loop3A_129, %parallel_loop3A_219], %parallel_loop3A_218 : memref<16x3200xf32, #tpu.memory_space<vmem>>[vector<16xi32>, vector<16xi32>], vector<16xf32>,
          %parallel_loop3A_220 = arith.addi %parallel_loop3A_175, %parallel_loop3A_213 : vector<16xi32>
          %parallel_loop3A_221 = tpu.vector_load_idx %arg5[%parallel_loop3A_220] : memref<8192xf32, #tpu.memory_space<vmem>>[vector<16xi32>], vector<16xf32>,
          %parallel_loop3A_222 = arith.addi %parallel_loop3A_172, %parallel_loop3A_213 : vector<16xi32>
          tpu.vector_store_idx %arg8[%parallel_loop3A_158, %parallel_loop3A_222], %parallel_loop3A_221 : memref<16x3200xf32, #tpu.memory_space<vmem>>[vector<16xi32>, vector<16xi32>], vector<16xf32>,
          %parallel_loop3A_223 = arith.addi %parallel_loop3A_204, %parallel_loop3A_213 : vector<16xi32>
          %parallel_loop3A_224 = tpu.vector_load_idx %arg5[%parallel_loop3A_223] : memref<8192xf32, #tpu.memory_space<vmem>>[vector<16xi32>], vector<16xf32>,
          %parallel_loop3A_225 = arith.addi %parallel_loop3A_201, %parallel_loop3A_213 : vector<16xi32>
          tpu.vector_store_idx %arg8[%parallel_loop3A_187, %parallel_loop3A_225], %parallel_loop3A_224 : memref<16x3200xf32, #tpu.memory_space<vmem>>[vector<16xi32>, vector<16xi32>], vector<16xf32>,
        } {sc.loop_unroll_factor = 4 : i64, sc.parallel_access}
      } {sc.loop_unroll_factor = 1 : i64, sc.parallel_access}
      %mul3A_46 = arith.constant 16 : i32
      %mul3A_47 = arith.muli %add3A_34, %mul3A_46 : i32
      %add3A_48 = arith.addi %mul3A_2, %mul3A_47 : i32
      %dma_start3A_49 = arith.constant 0 : i32
      %dma_start3A_50 = tpu.memref_slice %arg4[%add3A_48, %dma_start3A_49] : memref<16384x3200xf32, #tpu.memory_space<hbm>> -> memref<16x3200xf32, #tpu.memory_space<hbm>>
      %dma_start3A_51 = arith.constant 0 : i32
      %dma_start3A_52 = tpu.memref_slice %arg4[%add3A_48, %dma_start3A_51] : memref<16384x3200xf32, #tpu.memory_space<hbm>> -> memref<16x3200xf32, #tpu.memory_space<hbm>>
      tpu.enqueue_dma source(%arg8 : memref<16x3200xf32, #tpu.memory_space<vmem>>) target(%dma_start3A_52 : memref<16x3200xf32, #tpu.memory_space<hbm>>) target_semaphore(%arg12 : memref<!tpu.dma_semaphore, #tpu.memory_space<semaphore_mem>>)
      %lt3A = arith.constant 15 : i32
      %lt3A_53 = arith.cmpi slt, %scan3A_30, %lt3A : i32
      %convert_element_type3A_54 = arith.extui %lt3A_53 : i1 to i32
      %cond3A_55 = arith.constant 0 : i32
      %cond3A_56 = arith.cmpi ne, %convert_element_type3A_54, %cond3A_55 : i32
      scf.if %cond3A_56 {
        %add3A_88 = arith.constant 2 : i32
        %add3A_89 = arith.addi %add3A_34, %add3A_88 : i32
        %mul3A_90 = arith.constant 16 : i32
        %mul3A_91 = arith.muli %add3A_89, %mul3A_90 : i32
        %add3A_92 = arith.addi %mul3A_2, %mul3A_91 : i32
        %dma_start3A_93 = arith.constant 0 : i32
        %dma_start3A_94 = tpu.memref_slice %arg3[%add3A_92, %dma_start3A_93] : memref<16384x100xi32, #tpu.memory_space<hbm>> -> memref<16x100xi32, #tpu.memory_space<hbm>>
        %dma_start3A_95 = arith.constant 0 : i32
        %dma_start3A_96 = tpu.memref_slice %arg3[%add3A_92, %dma_start3A_95] : memref<16384x100xi32, #tpu.memory_space<hbm>> -> memref<16x100xi32, #tpu.memory_space<hbm>>
        tpu.enqueue_dma source(%dma_start3A_96 : memref<16x100xi32, #tpu.memory_space<hbm>>) target(%arg6 : memref<16x100xi32, #tpu.memory_space<vmem>>) target_semaphore(%arg10 : memref<!tpu.dma_semaphore, #tpu.memory_space<semaphore_mem>>)
      } else {
      }
      %mul3A_57 = arith.constant 2 : i32
      %mul3A_58 = arith.muli %scan3A_30, %mul3A_57 : i32
      %add3A_59 = arith.constant 1 : i32
      %add3A_60 = arith.addi %mul3A_58, %add3A_59 : i32
      %mul3A_61 = arith.constant 16 : i32
      %mul3A_62 = arith.muli %add3A_60, %mul3A_61 : i32
      %add3A_63 = arith.addi %mul3A_2, %mul3A_62 : i32
      %dma_wait3A_64 = arith.constant 0 : i32
      %dma_wait3A_65 = tpu.memref_slice %arg3[%add3A_63, %dma_wait3A_64] : memref<16384x100xi32, #tpu.memory_space<hbm>> -> memref<16x100xi32, #tpu.memory_space<hbm>>
      %dma_wait3A_66 = arith.constant 0 : i32
      %dma_wait3A_67 = tpu.memref_slice %arg3[%add3A_63, %dma_wait3A_66] : memref<16384x100xi32, #tpu.memory_space<hbm>> -> memref<16x100xi32, #tpu.memory_space<hbm>>
      tpu.wait_dma2 semaphore(%arg11 : memref<!tpu.dma_semaphore, #tpu.memory_space<semaphore_mem>>) src(%dma_wait3A_67 : memref<16x100xi32, #tpu.memory_space<hbm>>) dst(%arg7 : memref<16x100xi32, #tpu.memory_space<vmem>>)
      %gt3A_68 = arith.constant 0 : i32
      %gt3A_69 = arith.cmpi sgt, %scan3A_30, %gt3A_68 : i32
      %convert_element_type3A_70 = arith.extui %gt3A_69 : i1 to i32
      %cond3A_71 = arith.constant 0 : i32
      %cond3A_72 = arith.cmpi ne, %convert_element_type3A_70, %cond3A_71 : i32
      scf.if %cond3A_72 {
        %sub3A = arith.constant 2 : i32
        %sub3A_88 = arith.subi %add3A_60, %sub3A : i32
        %mul3A_89 = arith.constant 16 : i32
        %mul3A_90 = arith.muli %sub3A_88, %mul3A_89 : i32
        %add3A_91 = arith.addi %mul3A_2, %mul3A_90 : i32
        %dma_wait3A_92 = arith.constant 0 : i32
        %dma_wait3A_93 = tpu.memref_slice %arg4[%add3A_91, %dma_wait3A_92] : memref<16384x3200xf32, #tpu.memory_space<hbm>> -> memref<16x3200xf32, #tpu.memory_space<hbm>>
        %dma_wait3A_94 = arith.constant 0 : i32
        %dma_wait3A_95 = tpu.memref_slice %arg4[%add3A_91, %dma_wait3A_94] : memref<16384x3200xf32, #tpu.memory_space<hbm>> -> memref<16x3200xf32, #tpu.memory_space<hbm>>
        tpu.wait_dma2 semaphore(%arg13 : memref<!tpu.dma_semaphore, #tpu.memory_space<semaphore_mem>>) src(%arg9 : memref<16x3200xf32, #tpu.memory_space<vmem>>) dst(%dma_wait3A_95 : memref<16x3200xf32, #tpu.memory_space<hbm>>)
      } else {
      }
      %parallel_loop3A_73 = arith.constant 0 : i32
      %parallel_loop3A_74 = arith.constant 25 : i32
      %parallel_loop3A_75 = arith.constant 1 : i32
      scf.for %parallel_loop3A_88 = %parallel_loop3A_73 to %parallel_loop3A_74 step %parallel_loop3A_75  : i32 {
        %parallel_loop3A_89 = arith.constant 64 : i32
        %parallel_loop3A_90 = arith.muli %parallel_loop3A_88, %parallel_loop3A_89 : i32
        %parallel_loop3A_91 = arith.constant 0 : i32
        %parallel_loop3A_92 = arith.addi %parallel_loop3A_90, %parallel_loop3A_91 : i32
        %parallel_loop3A_93 = vector.broadcast %parallel_loop3A_92 : i32 to vector<16xi32>
        %parallel_loop3A_94 = arith.addi %parallel_loop3A_93, %iota3A : vector<16xi32>
        %parallel_loop3A_95 = arith.constant 5243 : i32
        %parallel_loop3A_96 = vector.broadcast %parallel_loop3A_95 : i32 to vector<16xi32>
        %parallel_loop3A_97 = arith.muli %parallel_loop3A_94, %parallel_loop3A_96 : vector<16xi32>
        %parallel_loop3A_98 = arith.constant 19 : i32
        %parallel_loop3A_99 = vector.broadcast %parallel_loop3A_98 : i32 to vector<16xi32>
        %parallel_loop3A_100 = arith.shrsi %parallel_loop3A_97, %parallel_loop3A_99 : vector<16xi32>
        %parallel_loop3A_101 = arith.constant 100 : i32
        %parallel_loop3A_102 = vector.broadcast %parallel_loop3A_101 : i32 to vector<16xi32>
        %parallel_loop3A_103 = arith.muli %parallel_loop3A_100, %parallel_loop3A_102 : vector<16xi32>
        %parallel_loop3A_104 = arith.subi %parallel_loop3A_94, %parallel_loop3A_103 : vector<16xi32>
        %parallel_loop3A_105 = tpu.vector_load_idx %arg7[%parallel_loop3A_100, %parallel_loop3A_104] : memref<16x100xi32, #tpu.memory_space<vmem>>[vector<16xi32>, vector<16xi32>], vector<16xi32>,
        %parallel_loop3A_106 = arith.constant 0 : i32
        %parallel_loop3A_107 = vector.broadcast %parallel_loop3A_106 : i32 to vector<16xi32>
        %parallel_loop3A_108 = arith.maxsi %parallel_loop3A_105, %parallel_loop3A_107 : vector<16xi32>
        %parallel_loop3A_109 = arith.constant 255 : i32
        %parallel_loop3A_110 = vector.broadcast %parallel_loop3A_109 : i32 to vector<16xi32>
        %parallel_loop3A_111 = arith.minsi %parallel_loop3A_108, %parallel_loop3A_110 : vector<16xi32>
        %parallel_loop3A_112 = arith.constant 32 : i32
        %parallel_loop3A_113 = vector.broadcast %parallel_loop3A_112 : i32 to vector<16xi32>
        %parallel_loop3A_114 = arith.muli %parallel_loop3A_104, %parallel_loop3A_113 : vector<16xi32>
        %parallel_loop3A_115 = arith.constant 32 : i32
        %parallel_loop3A_116 = vector.broadcast %parallel_loop3A_115 : i32 to vector<16xi32>
        %parallel_loop3A_117 = arith.muli %parallel_loop3A_111, %parallel_loop3A_116 : vector<16xi32>
        %parallel_loop3A_118 = arith.constant 64 : i32
        %parallel_loop3A_119 = arith.muli %parallel_loop3A_88, %parallel_loop3A_118 : i32
        %parallel_loop3A_120 = arith.constant 16 : i32
        %parallel_loop3A_121 = arith.addi %parallel_loop3A_119, %parallel_loop3A_120 : i32
        %parallel_loop3A_122 = vector.broadcast %parallel_loop3A_121 : i32 to vector<16xi32>
        %parallel_loop3A_123 = arith.addi %parallel_loop3A_122, %iota3A : vector<16xi32>
        %parallel_loop3A_124 = arith.constant 5243 : i32
        %parallel_loop3A_125 = vector.broadcast %parallel_loop3A_124 : i32 to vector<16xi32>
        %parallel_loop3A_126 = arith.muli %parallel_loop3A_123, %parallel_loop3A_125 : vector<16xi32>
        %parallel_loop3A_127 = arith.constant 19 : i32
        %parallel_loop3A_128 = vector.broadcast %parallel_loop3A_127 : i32 to vector<16xi32>
        %parallel_loop3A_129 = arith.shrsi %parallel_loop3A_126, %parallel_loop3A_128 : vector<16xi32>
        %parallel_loop3A_130 = arith.constant 100 : i32
        %parallel_loop3A_131 = vector.broadcast %parallel_loop3A_130 : i32 to vector<16xi32>
        %parallel_loop3A_132 = arith.muli %parallel_loop3A_129, %parallel_loop3A_131 : vector<16xi32>
        %parallel_loop3A_133 = arith.subi %parallel_loop3A_123, %parallel_loop3A_132 : vector<16xi32>
        %parallel_loop3A_134 = tpu.vector_load_idx %arg7[%parallel_loop3A_129, %parallel_loop3A_133] : memref<16x100xi32, #tpu.memory_space<vmem>>[vector<16xi32>, vector<16xi32>], vector<16xi32>,
        %parallel_loop3A_135 = arith.constant 0 : i32
        %parallel_loop3A_136 = vector.broadcast %parallel_loop3A_135 : i32 to vector<16xi32>
        %parallel_loop3A_137 = arith.maxsi %parallel_loop3A_134, %parallel_loop3A_136 : vector<16xi32>
        %parallel_loop3A_138 = arith.constant 255 : i32
        %parallel_loop3A_139 = vector.broadcast %parallel_loop3A_138 : i32 to vector<16xi32>
        %parallel_loop3A_140 = arith.minsi %parallel_loop3A_137, %parallel_loop3A_139 : vector<16xi32>
        %parallel_loop3A_141 = arith.constant 32 : i32
        %parallel_loop3A_142 = vector.broadcast %parallel_loop3A_141 : i32 to vector<16xi32>
        %parallel_loop3A_143 = arith.muli %parallel_loop3A_133, %parallel_loop3A_142 : vector<16xi32>
        %parallel_loop3A_144 = arith.constant 32 : i32
        %parallel_loop3A_145 = vector.broadcast %parallel_loop3A_144 : i32 to vector<16xi32>
        %parallel_loop3A_146 = arith.muli %parallel_loop3A_140, %parallel_loop3A_145 : vector<16xi32>
        %parallel_loop3A_147 = arith.constant 64 : i32
        %parallel_loop3A_148 = arith.muli %parallel_loop3A_88, %parallel_loop3A_147 : i32
        %parallel_loop3A_149 = arith.constant 32 : i32
        %parallel_loop3A_150 = arith.addi %parallel_loop3A_148, %parallel_loop3A_149 : i32
        %parallel_loop3A_151 = vector.broadcast %parallel_loop3A_150 : i32 to vector<16xi32>
        %parallel_loop3A_152 = arith.addi %parallel_loop3A_151, %iota3A : vector<16xi32>
        %parallel_loop3A_153 = arith.constant 5243 : i32
        %parallel_loop3A_154 = vector.broadcast %parallel_loop3A_153 : i32 to vector<16xi32>
        %parallel_loop3A_155 = arith.muli %parallel_loop3A_152, %parallel_loop3A_154 : vector<16xi32>
        %parallel_loop3A_156 = arith.constant 19 : i32
        %parallel_loop3A_157 = vector.broadcast %parallel_loop3A_156 : i32 to vector<16xi32>
        %parallel_loop3A_158 = arith.shrsi %parallel_loop3A_155, %parallel_loop3A_157 : vector<16xi32>
        %parallel_loop3A_159 = arith.constant 100 : i32
        %parallel_loop3A_160 = vector.broadcast %parallel_loop3A_159 : i32 to vector<16xi32>
        %parallel_loop3A_161 = arith.muli %parallel_loop3A_158, %parallel_loop3A_160 : vector<16xi32>
        %parallel_loop3A_162 = arith.subi %parallel_loop3A_152, %parallel_loop3A_161 : vector<16xi32>
        %parallel_loop3A_163 = tpu.vector_load_idx %arg7[%parallel_loop3A_158, %parallel_loop3A_162] : memref<16x100xi32, #tpu.memory_space<vmem>>[vector<16xi32>, vector<16xi32>], vector<16xi32>,
        %parallel_loop3A_164 = arith.constant 0 : i32
        %parallel_loop3A_165 = vector.broadcast %parallel_loop3A_164 : i32 to vector<16xi32>
        %parallel_loop3A_166 = arith.maxsi %parallel_loop3A_163, %parallel_loop3A_165 : vector<16xi32>
        %parallel_loop3A_167 = arith.constant 255 : i32
        %parallel_loop3A_168 = vector.broadcast %parallel_loop3A_167 : i32 to vector<16xi32>
        %parallel_loop3A_169 = arith.minsi %parallel_loop3A_166, %parallel_loop3A_168 : vector<16xi32>
        %parallel_loop3A_170 = arith.constant 32 : i32
        %parallel_loop3A_171 = vector.broadcast %parallel_loop3A_170 : i32 to vector<16xi32>
        %parallel_loop3A_172 = arith.muli %parallel_loop3A_162, %parallel_loop3A_171 : vector<16xi32>
        %parallel_loop3A_173 = arith.constant 32 : i32
        %parallel_loop3A_174 = vector.broadcast %parallel_loop3A_173 : i32 to vector<16xi32>
        %parallel_loop3A_175 = arith.muli %parallel_loop3A_169, %parallel_loop3A_174 : vector<16xi32>
        %parallel_loop3A_176 = arith.constant 64 : i32
        %parallel_loop3A_177 = arith.muli %parallel_loop3A_88, %parallel_loop3A_176 : i32
        %parallel_loop3A_178 = arith.constant 48 : i32
        %parallel_loop3A_179 = arith.addi %parallel_loop3A_177, %parallel_loop3A_178 : i32
        %parallel_loop3A_180 = vector.broadcast %parallel_loop3A_179 : i32 to vector<16xi32>
        %parallel_loop3A_181 = arith.addi %parallel_loop3A_180, %iota3A : vector<16xi32>
        %parallel_loop3A_182 = arith.constant 5243 : i32
        %parallel_loop3A_183 = vector.broadcast %parallel_loop3A_182 : i32 to vector<16xi32>
        %parallel_loop3A_184 = arith.muli %parallel_loop3A_181, %parallel_loop3A_183 : vector<16xi32>
        %parallel_loop3A_185 = arith.constant 19 : i32
        %parallel_loop3A_186 = vector.broadcast %parallel_loop3A_185 : i32 to vector<16xi32>
        %parallel_loop3A_187 = arith.shrsi %parallel_loop3A_184, %parallel_loop3A_186 : vector<16xi32>
        %parallel_loop3A_188 = arith.constant 100 : i32
        %parallel_loop3A_189 = vector.broadcast %parallel_loop3A_188 : i32 to vector<16xi32>
        %parallel_loop3A_190 = arith.muli %parallel_loop3A_187, %parallel_loop3A_189 : vector<16xi32>
        %parallel_loop3A_191 = arith.subi %parallel_loop3A_181, %parallel_loop3A_190 : vector<16xi32>
        %parallel_loop3A_192 = tpu.vector_load_idx %arg7[%parallel_loop3A_187, %parallel_loop3A_191] : memref<16x100xi32, #tpu.memory_space<vmem>>[vector<16xi32>, vector<16xi32>], vector<16xi32>,
        %parallel_loop3A_193 = arith.constant 0 : i32
        %parallel_loop3A_194 = vector.broadcast %parallel_loop3A_193 : i32 to vector<16xi32>
        %parallel_loop3A_195 = arith.maxsi %parallel_loop3A_192, %parallel_loop3A_194 : vector<16xi32>
        %parallel_loop3A_196 = arith.constant 255 : i32
        %parallel_loop3A_197 = vector.broadcast %parallel_loop3A_196 : i32 to vector<16xi32>
        %parallel_loop3A_198 = arith.minsi %parallel_loop3A_195, %parallel_loop3A_197 : vector<16xi32>
        %parallel_loop3A_199 = arith.constant 32 : i32
        %parallel_loop3A_200 = vector.broadcast %parallel_loop3A_199 : i32 to vector<16xi32>
        %parallel_loop3A_201 = arith.muli %parallel_loop3A_191, %parallel_loop3A_200 : vector<16xi32>
        %parallel_loop3A_202 = arith.constant 32 : i32
        %parallel_loop3A_203 = vector.broadcast %parallel_loop3A_202 : i32 to vector<16xi32>
        %parallel_loop3A_204 = arith.muli %parallel_loop3A_198, %parallel_loop3A_203 : vector<16xi32>
        %parallel_loop3A_205 = arith.constant 0 : i32
        %parallel_loop3A_206 = arith.constant 32 : i32
        %parallel_loop3A_207 = arith.constant 1 : i32
        scf.for %parallel_loop3A_208 = %parallel_loop3A_205 to %parallel_loop3A_206 step %parallel_loop3A_207  : i32 {
          %parallel_loop3A_209 = vector.broadcast %parallel_loop3A_208 : i32 to vector<16xi32>
          %parallel_loop3A_210 = arith.addi %iota3A, %parallel_loop3A_209 : vector<16xi32>
          %parallel_loop3A_211 = arith.constant 31 : i32
          %parallel_loop3A_212 = vector.broadcast %parallel_loop3A_211 : i32 to vector<16xi32>
          %parallel_loop3A_213 = arith.andi %parallel_loop3A_210, %parallel_loop3A_212 : vector<16xi32>
          %parallel_loop3A_214 = arith.addi %parallel_loop3A_117, %parallel_loop3A_213 : vector<16xi32>
          %parallel_loop3A_215 = tpu.vector_load_idx %arg5[%parallel_loop3A_214] : memref<8192xf32, #tpu.memory_space<vmem>>[vector<16xi32>], vector<16xf32>,
          %parallel_loop3A_216 = arith.addi %parallel_loop3A_114, %parallel_loop3A_213 : vector<16xi32>
          tpu.vector_store_idx %arg9[%parallel_loop3A_100, %parallel_loop3A_216], %parallel_loop3A_215 : memref<16x3200xf32, #tpu.memory_space<vmem>>[vector<16xi32>, vector<16xi32>], vector<16xf32>,
          %parallel_loop3A_217 = arith.addi %parallel_loop3A_146, %parallel_loop3A_213 : vector<16xi32>
          %parallel_loop3A_218 = tpu.vector_load_idx %arg5[%parallel_loop3A_217] : memref<8192xf32, #tpu.memory_space<vmem>>[vector<16xi32>], vector<16xf32>,
          %parallel_loop3A_219 = arith.addi %parallel_loop3A_143, %parallel_loop3A_213 : vector<16xi32>
          tpu.vector_store_idx %arg9[%parallel_loop3A_129, %parallel_loop3A_219], %parallel_loop3A_218 : memref<16x3200xf32, #tpu.memory_space<vmem>>[vector<16xi32>, vector<16xi32>], vector<16xf32>,
          %parallel_loop3A_220 = arith.addi %parallel_loop3A_175, %parallel_loop3A_213 : vector<16xi32>
          %parallel_loop3A_221 = tpu.vector_load_idx %arg5[%parallel_loop3A_220] : memref<8192xf32, #tpu.memory_space<vmem>>[vector<16xi32>], vector<16xf32>,
          %parallel_loop3A_222 = arith.addi %parallel_loop3A_172, %parallel_loop3A_213 : vector<16xi32>
          tpu.vector_store_idx %arg9[%parallel_loop3A_158, %parallel_loop3A_222], %parallel_loop3A_221 : memref<16x3200xf32, #tpu.memory_space<vmem>>[vector<16xi32>, vector<16xi32>], vector<16xf32>,
          %parallel_loop3A_223 = arith.addi %parallel_loop3A_204, %parallel_loop3A_213 : vector<16xi32>
          %parallel_loop3A_224 = tpu.vector_load_idx %arg5[%parallel_loop3A_223] : memref<8192xf32, #tpu.memory_space<vmem>>[vector<16xi32>], vector<16xf32>,
          %parallel_loop3A_225 = arith.addi %parallel_loop3A_201, %parallel_loop3A_213 : vector<16xi32>
          tpu.vector_store_idx %arg9[%parallel_loop3A_187, %parallel_loop3A_225], %parallel_loop3A_224 : memref<16x3200xf32, #tpu.memory_space<vmem>>[vector<16xi32>, vector<16xi32>], vector<16xf32>,
        } {sc.loop_unroll_factor = 4 : i64, sc.parallel_access}
      } {sc.loop_unroll_factor = 1 : i64, sc.parallel_access}
      %mul3A_76 = arith.constant 16 : i32
      %mul3A_77 = arith.muli %add3A_60, %mul3A_76 : i32
      %add3A_78 = arith.addi %mul3A_2, %mul3A_77 : i32
      %dma_start3A_79 = arith.constant 0 : i32
      %dma_start3A_80 = tpu.memref_slice %arg4[%add3A_78, %dma_start3A_79] : memref<16384x3200xf32, #tpu.memory_space<hbm>> -> memref<16x3200xf32, #tpu.memory_space<hbm>>
      %dma_start3A_81 = arith.constant 0 : i32
      %dma_start3A_82 = tpu.memref_slice %arg4[%add3A_78, %dma_start3A_81] : memref<16384x3200xf32, #tpu.memory_space<hbm>> -> memref<16x3200xf32, #tpu.memory_space<hbm>>
      tpu.enqueue_dma source(%arg9 : memref<16x3200xf32, #tpu.memory_space<vmem>>) target(%dma_start3A_82 : memref<16x3200xf32, #tpu.memory_space<hbm>>) target_semaphore(%arg13 : memref<!tpu.dma_semaphore, #tpu.memory_space<semaphore_mem>>)
      %lt3A_83 = arith.constant 15 : i32
      %lt3A_84 = arith.cmpi slt, %scan3A_30, %lt3A_83 : i32
      %convert_element_type3A_85 = arith.extui %lt3A_84 : i1 to i32
      %cond3A_86 = arith.constant 0 : i32
      %cond3A_87 = arith.cmpi ne, %convert_element_type3A_85, %cond3A_86 : i32
      scf.if %cond3A_87 {
        %add3A_88 = arith.constant 2 : i32
        %add3A_89 = arith.addi %add3A_60, %add3A_88 : i32
        %mul3A_90 = arith.constant 16 : i32
        %mul3A_91 = arith.muli %add3A_89, %mul3A_90 : i32
        %add3A_92 = arith.addi %mul3A_2, %mul3A_91 : i32
        %dma_start3A_93 = arith.constant 0 : i32
        %dma_start3A_94 = tpu.memref_slice %arg3[%add3A_92, %dma_start3A_93] : memref<16384x100xi32, #tpu.memory_space<hbm>> -> memref<16x100xi32, #tpu.memory_space<hbm>>
        %dma_start3A_95 = arith.constant 0 : i32
        %dma_start3A_96 = tpu.memref_slice %arg3[%add3A_92, %dma_start3A_95] : memref<16384x100xi32, #tpu.memory_space<hbm>> -> memref<16x100xi32, #tpu.memory_space<hbm>>
        tpu.enqueue_dma source(%dma_start3A_96 : memref<16x100xi32, #tpu.memory_space<hbm>>) target(%arg7 : memref<16x100xi32, #tpu.memory_space<vmem>>) target_semaphore(%arg11 : memref<!tpu.dma_semaphore, #tpu.memory_space<semaphore_mem>>)
      } else {
      }
    }
    %scan3A_18 = arith.constant 16 : i32
    %add3A_19 = arith.constant 480 : i32
    %add3A_20 = arith.addi %mul3A_2, %add3A_19 : i32
    %dma_wait3A = arith.constant 0 : i32
    %dma_wait3A_21 = tpu.memref_slice %arg4[%add3A_20, %dma_wait3A] : memref<16384x3200xf32, #tpu.memory_space<hbm>> -> memref<16x3200xf32, #tpu.memory_space<hbm>>
    %dma_wait3A_22 = arith.constant 0 : i32
    %dma_wait3A_23 = tpu.memref_slice %arg4[%add3A_20, %dma_wait3A_22] : memref<16384x3200xf32, #tpu.memory_space<hbm>> -> memref<16x3200xf32, #tpu.memory_space<hbm>>
    tpu.wait_dma2 semaphore(%arg12 : memref<!tpu.dma_semaphore, #tpu.memory_space<semaphore_mem>>) src(%arg8 : memref<16x3200xf32, #tpu.memory_space<vmem>>) dst(%dma_wait3A_23 : memref<16x3200xf32, #tpu.memory_space<hbm>>)
    %add3A_24 = arith.constant 496 : i32
    %add3A_25 = arith.addi %mul3A_2, %add3A_24 : i32
    %dma_wait3A_26 = arith.constant 0 : i32
    %dma_wait3A_27 = tpu.memref_slice %arg4[%add3A_25, %dma_wait3A_26] : memref<16384x3200xf32, #tpu.memory_space<hbm>> -> memref<16x3200xf32, #tpu.memory_space<hbm>>
    %dma_wait3A_28 = arith.constant 0 : i32
    %dma_wait3A_29 = tpu.memref_slice %arg4[%add3A_25, %dma_wait3A_28] : memref<16384x3200xf32, #tpu.memory_space<hbm>> -> memref<16x3200xf32, #tpu.memory_space<hbm>>
    tpu.wait_dma2 semaphore(%arg13 : memref<!tpu.dma_semaphore, #tpu.memory_space<semaphore_mem>>) src(%arg9 : memref<16x3200xf32, #tpu.memory_space<vmem>>) dst(%dma_wait3A_29 : memref<16x3200xf32, #tpu.memory_space<hbm>>)
    return
  }
}

</mosaic_0001>

<sc_bundles>
// kernel: kernel.3.cloned.1.call-start
scs
__scs_entry_jumppad:
0x0: {  	(pc) =	sbr.rel $0x88, $3  }
0x1: {  	(tag) =	ssettag $0x0;
	lr =	simm.s32 $0x1  }
0x2: {  	[smem:$0x3F9E] =	sst lr;
	_ =	strace $0xD0000000  }
0x3: {  	_ = 	snop  }
0x4: {  	_ = 	snop  }
0x5: {  	_ = 	snop  }
0x6: {  	_ = 	snop  }
0x7: {  	_ = 	snop  }
__scs_overlays_trampoline_lowered:
0x8: {  	[smem:$0x3FAD] =	sst s0  }
0x9: {  	[smem:$0x3FAE] =	sst s1  }
0xa: {  	[smem:$0x3FAF] =	sst s2  }
0xb: {  	[smem:$0x3FB0] =	sst s3  }
0xc: {  	[smem:$0x3FB1] =	sst s4  }
0xd: {  	[smem:$0x3FB2] =	sst s5  }
0xe: {  	[smem:$0x3FB3] =	sst s6  }
0xf: {  	[smem:$0x3FB4] =	sst s7  }
0x10: {  	[smem:$0x3FB5] =	sst s8  }
0x11: {  	[smem:$0x3FB6] =	sst s9;
	s0 =	simm.s32 @!p0 $0x0  }
0x12: {  	s1 =	sld [smem:$0x3F9C];
	s0 =	simm.s32 @p0 $0x1  }
0x13: {  	[smem:$0x3FB7] =	sst s0;
	s0 =	simm.s32 @!p1 $0x0  }
0x14: {  	s2 =	sld [smem:$0x3F9B];
	s0 =	simm.s32 @p1 $0x1  }
0x15: {  	[smem:$0x3FB8] =	sst s0;
	s0 =	simm.s32 @!p2 $0x0  }
0x16: {  	s3 =	sld [smem:$0x3FDB];
	s0 =	simm.s32 @p2 $0x1  }
0x17: {  	s4 =	simm.s32 $0x1BF5;
	[smem:$0x3FBA] =	sst s0  }
0x18: {  	s0 =	sld [smem:$0x3F9D];
	_ =	swait.ge [sflag:s4], $0x0  }
0x19: {  	s7 =	sld [smem:$0x3F9E]  }
0x1a: {  	s8 =	sadd.s32 $0xFFFFE003, lr  }
0x1b: {  	s9 =	sadd.s32 $0xFFFFFEF7, lr;
	s5 =	simm.s32 $0xFFFFFFFF;
	p2 =	slt.u32 s8, $0xFFFFF086  }
0x1c: {  	p1 =	slt.u32 s9, $0xF7A;
	s5 =	simm.s32 @!p2 $0x0  }
0x1d: {  	s5 =	simm.s32 @p1 $0x1;
	p0 =	seq.s32 s7, s2  }
0x1e: {  	s7 =	smul.u32 @!p0 $0xF7A, s2;
	p2 =	seq.s32 @!p0 s5, $0x0  }
0x1f: {  	s9 =	smul.u32 $0xF7A, s1;
	s8 =	simm.s32 @!p0 $0x1BF5;
	p2 =	por !p2, p0  }
0x20: {  	[sflag:s8] =	ssyncset.s32 @!p0 $0xFFFFF086;
	s6 =	sadd.s32 @!p0 s3, s7;
	s7 =	simm.s32 @!p0 $0x108  }
0x21: {  	s3 =	sadd.s32 s3, s9;
	s6 =	sadd.s32 @!p0 $0x88, s6;
	s7 =	simm.s32 @p2 $0x1082  }
0x22: {  	[simem:s7], [sflag:s8] =	dma.local @!p0 [hbm:s6], $0xF7A  }
0x23: {  	s9 =	sor.u32 $0xD0000000, s2;
	s6 =	simm.s32 $0x108;
	_ =	swait.ge @!p0 [sflag:s8], $0x0  }
0x24: {  	s3 =	sadd.s32 $0x88, s3;
	s6 =	simm.s32 @!p1 $0x1082;
	[sflag:s4] =	ssyncset.s32 $0xFFFFF086  }
0x25: {  	[simem:s6], [sflag:s4] =	dma.local [hbm:s3], $0xF7A  }
0x26: {  	[smem:$0x3F9E] =	sst s1;
	(tag) =	ssettag s2;
	_ =	strace s9  }
0x27: {  	s1 =	sld [smem:$0x3FAE]  }
0x28: {  	s2 =	sld [smem:$0x3FAF]  }
0x29: {  	s4 =	sld [smem:$0x3FB1]  }
0x2a: {  	p0 =	seq.s32 s5, $0x0;
	s5 =	sld [smem:$0x3FB2]  }
0x2b: {  	s6 =	sld [smem:$0x3FB3]  }
0x2c: {  	s7 =	sld [smem:$0x3FB4]  }
0x2d: {  	s3 =	simm.s32 $0x108;
	s8 =	sld [smem:$0x3FB5]  }
0x2e: {  	s3 =	simm.s32 @!p0 $0x1082;
	s9 =	sld [smem:$0x3FB6]  }
0x2f: {  	lr =	sadd.s32 s0, s3;
	s0 =	sld [smem:$0x3FAD]  }
0x30: {  	s3 =	sld [smem:$0x3FB0]  }
0x31: {  	[smem:$0x3FB9] =	sst s10  }
0x32: {  	s10 =	sld [smem:$0x3FB7];
	_ =	sdelay $0x3  }
0x33: {  	p0 =	seq.s32 s10, $0x1;
	s10 =	sld [smem:$0x3FB9];
	_ =	sdelay $0x3  }
0x34: {  	[smem:$0x3FB9] =	sst s10  }
0x35: {  	s10 =	sld [smem:$0x3FB8];
	_ =	sdelay $0x3  }
0x36: {  	p1 =	seq.s32 s10, $0x1;
	s10 =	sld [smem:$0x3FB9];
	_ =	sdelay $0x3  }
0x37: {  	[smem:$0x3FB9] =	sst s10  }
0x38: {  	s10 =	sld [smem:$0x3FBA]  }
0x39: {  	_ = 	snop;
	(pc) =	sbr.ind lr, $3  }
0x3a: {  	_ = 	snop  }
0x3b: {  	_ = 	snop  }
0x3c: {  	p2 =	seq.s32 s10, $0x1;
	s10 =	sld [smem:$0x3FB9]  }
0x3d: {  	_ =	shalt  }
0x3e: {  	_ =	shalt  }
0x3f: {  	_ =	shalt  }
0x40: {  	_ =	shalt  }
0x41: {  	_ =	shalt  }
0x42: {  	_ =	shalt  }
0x43: {  	_ =	shalt  }
0x44: {  	_ =	shalt  }
0x45: {  	_ =	shalt  }
0x46: {  	_ =	shalt  }
0x47: {  	_ =	shalt  }
0x48: {  	_ =	shalt  }
0x49: {  	_ =	shalt  }
0x4a: {  	_ =	shalt  }
0x4b: {  	_ =	shalt  }
0x4c: {  	_ =	shalt  }
0x4d: {  	_ =	shalt  }
0x4e: {  	_ =	shalt  }
0x4f: {  	_ =	shalt  }
0x50: {  	_ =	shalt  }
0x51: {  	_ =	shalt  }
0x52: {  	_ =	shalt  }
0x53: {  	_ =	shalt  }
0x54: {  	_ =	shalt  }
0x55: {  	_ =	shalt  }
0x56: {  	_ =	shalt  }
0x57: {  	_ =	shalt  }
0x58: {  	_ =	shalt  }
0x59: {  	_ =	shalt  }
0x5a: {  	_ =	shalt  }
0x5b: {  	_ =	shalt  }
0x5c: {  	_ =	shalt  }
0x5d: {  	_ =	shalt  }
0x5e: {  	_ =	shalt  }
0x5f: {  	_ =	shalt  }
0x60: {  	_ =	shalt  }
0x61: {  	_ =	shalt  }
0x62: {  	_ =	shalt  }
0x63: {  	_ =	shalt  }
0x64: {  	_ =	shalt  }
0x65: {  	_ =	shalt  }
0x66: {  	_ =	shalt  }
0x67: {  	_ =	shalt  }
0x68: {  	_ =	shalt  }
0x69: {  	_ =	shalt  }
0x6a: {  	_ =	shalt  }
0x6b: {  	_ =	shalt  }
0x6c: {  	_ =	shalt  }
0x6d: {  	_ =	shalt  }
0x6e: {  	_ =	shalt  }
0x6f: {  	_ =	shalt  }
0x70: {  	_ =	shalt  }
0x71: {  	_ =	shalt  }
0x72: {  	_ =	shalt  }
0x73: {  	_ =	shalt  }
0x74: {  	_ =	shalt  }
0x75: {  	_ =	shalt  }
0x76: {  	_ =	shalt  }
0x77: {  	_ =	shalt  }
0x78: {  	_ =	shalt  }
0x79: {  	_ =	shalt  }
0x7a: {  	_ =	shalt  }
0x7b: {  	_ =	shalt  }
0x7c: {  	_ =	shalt  }
0x7d: {  	_ =	shalt  }
0x7e: {  	_ =	shalt  }
0x7f: {  	_ =	shalt  }
0x80: {  	_ =	shalt  }
0x81: {  	_ =	shalt  }
0x82: {  	_ =	shalt  }
0x83: {  	_ =	shalt  }
0x84: {  	_ =	shalt  }
0x85: {  	_ =	shalt  }
0x86: {  	_ =	shalt  }
0x87: {  	_ =	shalt  }
.Lfunc_end0:
.L_simem_size_0:
called_computation_lowered:
.L_overlay_start_0:
0x88: {  	s2 =	sld [smem:$0x3FD9]  }
0x89: {  	s3 =	sld [smem:$0x3FFE];
	_ =	sdelay $0x1  }
0x8a: {  	s1 =	srdreg.scid  }
0x8b: {  	s0 =	sand.u32 $0x1, s1  }
0x8c: {  	s17 =	sshll.u32 s0, $0xA;
	s2 =	sadd.s32 s3, s2  }
0x8d: {  	s2 =	sadd.s32 s2, s17  }
0x8e: {  	[smem:$0x3FC5] =	sst s2  }
0x8f: {  	_ = 	snop  }
0x90: {  	s2 =	sld [smem:$0x3FD0];
	(tm) =	ssettm $0x1  }
0x91: {  	s18 =	sld [smem:$0x3FFB];
	_ =	sdelay $0x3  }
0x92: {  	_ =	strace s18  }
0x93: {  	s3 =	sld [smem:$0x3FFC];
	_ =	sdelay $0x3  }
0x94: {  	_ =	strace s3  }
0x95: {  	s3 =	sld [smem:$0x3FFD];
	_ =	sdelay $0x3  }
0x96: {  	_ =	strace s3  }
0x97: {  	_ =	strace $0x8FFFFFFF  }
0x98: {  	s19 =	sld [smem:$0x3FDB];
	_ =	sdelay $0x1  }
0x99: {  	s4 =	simm.s32 $_scs_section_size  }
0x9a: {  	s5 =	simm.s32 $_size__tile_overlayer_lowered;
	s6 =	simm.s32 $_tile_overlayer_lowered  }
0x9b: {  	s22 =	simm.s32 $0x1BFF;
	s21 =	sshll.u32 s6, $0x1;
	s3 =	sadd.s32 s4, s19  }
0x9c: {  	s7 =	simm.s32 $0x0;
	s20 =	sshll.u32 s5, $0x1;
	s5 =	sadd.s32 s21, s3  }
0x9d: {  	[timem:s7], [sflag:s22] =	dma.local [hbm:s5], s20  }
0x9e: {  	_ =	swait.ge [sflag:s22], s20  }
0x9f: {  	s4 =	ssub.s32 $0x0, s20;
	[sflag:s22] =	ssyncset.done $0x0  }
0xa0: {  	[sflag:s22] =	ssyncadd.s32 s4;
	_ =	sdelay $0x1  }
0xa1: {  	s23 =	simm.s32 $0x1B8B  }
0xa2: {  	_ =	swait.ge [sflag:s23], $0x1  }
0xa3: {  	[sflag:s23] =	ssyncset.done $0x0  }
0xa4: {  	s25 =	simm.s32 $0x1B8E;
	s24 =	sld [smem:$0x3FFE];
	[sflag:s23] =	ssyncadd.s32 $0xFFFFFFFF  }
0xa5: {  	s26 =	simm.s32 $execute0_lowered;
	[smem:$0x3FD2] =	sst s25  }
0xa6: {  	s5 =	sshll.u32 s26, $0x1;
	_ =	strace $0x80000046;
	[dreg:$0x1] =	wrdreg $0xFFFFFFFF  }
0xa7: {  	s28 =	simm.s32 $_size_execute0_lowered;
	s3 =	sadd.s32 s3, s5;
	[dreg:$0x0] =	wrdreg $0x0  }
0xa8: {  	s5 =	sshll.u32 s28, $0x1;
	[dreg:$0x2] =	wrdreg s3  }
0xa9: {  	[dreg:$0x3] =	wrdreg s5  }
0xaa: {  	[dreg:$0x4] =	wrdreg $0xC0  }
0xab: {  	_ =	task [dreg:s7], $0x5FFFF  }
0xac: {  	[dreg:$0x1] =	wrdreg $0xFFFFFFFF  }
0xad: {  	[dreg:$0x0] =	wrdreg $0x60  }
0xae: {  	[dreg:$0x2] =	wrdreg s24  }
0xaf: {  	[dreg:$0x3] =	wrdreg s2  }
0xb0: {  	[dreg:$0x4] =	wrdreg $0x9  }
0xb1: {  	_ =	task.clear_ibuf [dreg:s7], $0x5FFFF;
	_ =	strace $0x90000046  }
0xb2: {  	s29 =	simm.s32 $0x9;
	_ =	strace $0x80000048  }
0xb3: {  	_ =	swait.ge [sflag:s29], $0x1  }
0xb4: {  	[sflag:s29] =	ssyncadd.s32 $0xFFFFFFFF  }
0xb5: {  	_ =	strace $0x90000048  }
0xb6: {  	_ =	sfence  }
0xb7: {  	s30 =	sld [smem:$0x0];
	_ =	sdelay $0x2  }
0xb8: {  	s31 =	sshll.u32 s1, $0xD;
	s1 =	sshrl.u32 s1, $0x2  }
0xb9: {  	s3 =	sand.u32 $0x4000, s31;
	s1 =	sadd.s32 s1, s30  }
0xba: {  	s0 =	sor.u32 s3, s0;
	s1 =	sshll.u32 s1, $0x11  }
0xbb: {  	s0 =	sor.u32 s1, s0  }
0xbc: {  	s0 =	sadd.s32 $0x8F2B, s0  }
0xbd: {  	[sflag:s0] =	ssyncadd.remote.s32 $0x1  }
0xbe: {  	_ =	sfence.sel $0xFFFF  }
0xbf: {  	[dreg:$0x0] =	wrdreg $0xFFFFFFFF;
	(pc) =	sbr.abs _section_cstart, $3  }
0xc0: {  	[dreg:$0x1] =	wrdreg $0xFFFFFFFF  }
0xc1: {  	_ =	task.clear_ibuf [dreg:s7], $0x2FFFF;
	_ =	strace $0x9FFFFFFF  }
0xc2: {  	(tm) =	ssettm $0x7FFFFFFF  }
0xc3: {  	_ =	shalt  }
tec
execute0_lowered:
.L_overlay_start_1:
0x0: {  	(tag) =	ssettag $0x1  }
0x1: {  	s6 =	rddreg [dreg:$0x0]  }
0x2: {  	s2 =	rddreg [dreg:$0x1]  }
0x3: {  	s0 =	rddreg [dreg:$0x2];
	s4 =	srdreg.scid;
	s3 =	simm.s32 $0x0  }
0x4: {  	s1 =	stileid.u32;
	s13 =	simm.s32 $0x5;
	s14 =	simm.s32 $0x2000  }
0x5: {  	s15 =	simm.s32 $0x2800;
	s16 =	simm.s32 $0x1;
	s17 =	simm.s32 $0x3000  }
0x6: {  	s18 =	simm.s32 $0x2;
	s19 =	simm.s32 $0x4;
	s20 =	simm.s32 $0xF800  }
0x7: {  	s21 =	simm.s32 $0x3;
	s22 =	simm.s32 $0x0;
	s4 =	sand.u32 $0x1, s4  }
0x8: {  	[smem:$0x7FF] =	sst s3;
	s5 =	sshll.u32 s1, $0xA;
	s12 =	sadd.s32 $0x1900, s2  }
.Ltmp0:
0x9: {  	s7 =	sshll.u32 s4, $0x9;
	_ =	strace $0x80000047;
	(pc) =	sbr.rel .LBB2_1-.Ltmp0, $4  }
0xa: {  	s8 =	ssub.s32 $0x2, s4;
	s4 =	sor.u32 s7, s5;
	s5 =	sadd.s32 $0x800, s6  }
0xb: {  	v0 =	vlaneseq.u32;
	s31 =	sshrl.u32 s8, $0x1;
	s6 =	sadd.s32 $0x400, s6;
	s9 =	sshll.u32 s4, $0x4  }
0xc: {  	v2 =	vshll.u32 v0, $0x5;
	v1 =	vand.u32 $0x3, v0;
	s11 =	ssub.s32 s8, s31;
	s10 =	sor.u32 $0x30, s4;
	s7 =	sadd.s32 s5, s9  }
0xd: {  	v1 =	vmul.u32 $0x20, v1;
	v2 =	vand.u32 $0x60, v2;
	s9 =	sor.u32 $0x20, s4;
	s11 =	smax.u32 s11, $0x1;
	s8 =	sadd.s32 $0x100, s7  }
.LBB2_16:
0xe: {  	s22 =	sadd.s32 $0x1, s22  }
0xf: {  	_ =	swait.ge [sflag:s21], $0xC800;
	p0 =	sne.s32 s22, s11  }
.Ltmp1:
0x10: {  	[sflag:s21] =	ssyncset.done $0x0;
	(pc) =	sbr.rel @!p0 .LBB2_17-.Ltmp1, $4  }
0x11: {  	[sflag:s21] =	ssyncadd.s32 $0xFFFF3800  }
0x12: {  	_ =	swait.ge [sflag:s19], $0xC800  }
0x13: {  	[sflag:s19] =	ssyncset.done $0x0  }
0x14: {  	[sflag:s19] =	ssyncadd.s32 $0xFFFF3800  }
.LBB2_1:
0x15: {  	[tilespmem:s3], [sflag:$0x5] =	stream.linear.gather [hbm4b:s6+s3], $0x2000, $0x38;
	[tilespmem:$0x1C000] =	vst v63  }
0x16: {  	_ =	swait.ge [sflag:s13], $0x2000  }
0x17: {  	[sflag:s13] =	ssyncset.done $0x0  }
0x18: {  	[sflag:s13] =	ssyncadd.s32 $0xFFFFE000  }
0x19: {  	[tilespmem:s14], [sflag:$0x1] =	stream.linear.gather [hbm4b:s7+s3], $0x800, $0x38;
	[tilespmem:$0x1C000] =	vst v63  }
0x1a: {  	s23 =	simm.s32 $0x0  }
0x1b: {  	[tilespmem:s15], [sflag:$0x2] =	stream.linear.gather [hbm4b:s8+s3], $0x800, $0x38;
	[tilespmem:$0x1C000] =	vst v63  }
.LBB2_2:
0x1c: {  	_ =	swait.ge [sflag:s16], $0x800  }
0x1d: {  	p0 =	seq.s32 s23, $0x0;
	[sflag:s16] =	ssyncset.done $0x0  }
0x1e: {  	s26 =	simm.s32 @!p0 $0x3;
	[sflag:s16] =	ssyncadd.s32 $0xFFFFF800  }
0x1f: {  	_ =	swait.ge @!p0 [sflag:s26], $0xC800  }
0x20: {  	s24 =	sshll.u32 s23, $0x5;
	s28 =	simm.s32 $0x0;
	[sflag:s26] =	ssyncset.done @!p0 $0x0  }
0x21: {  	s25 =	sor.u32 s4, s24;
	[sflag:s26] =	ssyncadd.s32 @!p0 $0xFFFF3800;
	s26 =	simm.s32 $0x0  }
.LBB2_3:
0x22: {  	s29 =	sshll.u32 s28, $0x6  }
0x23: {  	v3 =	vor.u32 s29, v0  }
0x24: {  	s30 =	sor.u32 $0x10, s29;
	v4 =	vmul.u32 $0x147B, v3  }
0x25: {  	v7 =	vor.u32 s30, v0  }
0x26: {  	s30 =	sor.u32 $0x20, s29;
	v8 =	vmul.u32 $0x147B, v7;
	v5 =	vshrl.u32 v4, $0x13  }
0x27: {  	s29 =	sor.u32 $0x30, s29;
	v10 =	vor.u32 s30, v0;
	v6 =	vmul.u32 $0xFFFFFF9C, v5  }
0x28: {  	v14 =	vor.u32 s29, v0;
	v12 =	vmul.u32 $0x147B, v10;
	v9 =	vshrl.u32 v8, $0x13  }
0x29: {  	v17 =	vmul.u32 $0x147B, v14;
	v11 =	vmul.u32 $0xFFFFFF9C, v9;
	v6 =	vadd.s32 v3, v6  }
0x2a: {  	v5 =	vshll.u32 v5, $0x7;
	v3 =	vand.u32 $0xFFFFFF80, v6;
	v13 =	vand.u32 $0x7F, v6  }
0x2b: {  	v15 =	vadd.s32 v7, v11;
	v7 =	vshrl.u32 v12, $0x13;
	v3 =	vadd.s32 v5, v3  }
0x2c: {  	v3 =	vor.u32 v13, v3;
	v13 =	vmul.u32 $0xFFFFFF9C, v7  }
0x2d: {  	v9 =	vshll.u32 v9, $0x7;
	v18 =	vshrl.u32 v17, $0x13;
	v11 =	vand.u32 $0xFFFFFF80, v15  }
0x2e: {  	v16 =	vand.u32 $0x7F, v15;
	v11 =	vadd.s32 v9, v11;
	v10 =	vadd.s32 v10, v13  }
0x2f: {  	v19 =	vshll.u32 v7, $0x7;
	v11 =	vor.u32 v16, v11;
	v16 =	vand.u32 $0xFFFFFF80, v10  }
0x30: {  	v13 =	vmul.u32 $0xFFFFFF9C, v18;
	v7 =	vand.u32 $0x7F, v10;
	v16 =	vadd.s32 v19, v16  }
0x31: {  	v7 =	vor.u32 v7, v16  }
0x32: {  	v13 =	vadd.s32 v14, v13  }
0x33: {  	v18 =	vshll.u32 v18, $0x7;
	v14 =	vand.u32 $0xFFFFFF80, v13  }
0x34: {  	v16 =	vand.u32 $0x7F, v13;
	v3 =	vld.idx.msk [tilespmem:v3+s14+$0x0], $0xffff;
	v14 =	vadd.s32 v18, v14  }
0x35: {  	v11 =	vld.idx.msk [tilespmem:v11+s14+$0x0], $0xffff;
	v14 =	vor.u32 v16, v14  }
0x36: {  	v7 =	vld.idx.msk [tilespmem:v7+s14+$0x0], $0xffff;
	_ =	sdelay $0x2  }
0x37: {  	vm0 =	vgt.s32 v3, $0x0  }
0x38: {  	v4 =	vshrl.u32 v4, $0x16;
	v3 =	vnsel vm0, $0x0, v3;
	vm13 =	vgt.s32 v11, $0x0;
	v14 =	vld.idx.msk [tilespmem:v14+s14+$0x0], $0xffff  }
0x39: {  	v3 =	vmin.u32 v3, $0xFF;
	v16 =	vnsel vm13, $0x0, v11;
	vm14 =	vgt.s32 v7, $0x0  }
0x3a: {  	v11 =	vshll.u32 v3, $0x5;
	v3 =	vmin.u32 v16, $0xFF;
	v16 =	vnsel vm14, $0x0, v7  }
0x3b: {  	v8 =	vshrl.u32 v8, $0x16;
	v7 =	vshll.u32 v3, $0x5;
	v3 =	vmin.u32 v16, $0xFF  }
0x3c: {  	v16 =	vmul.u32 $0x6400, v4;
	v4 =	vshll.u32 v6, $0x8;
	v6 =	vadd.s32 s26, v0  }
0x3d: {  	vm15 =	vgt.s32 v14, $0x0;
	v20 =	vand.u32 $0xFFFFFC00, v4;
	v4 =	vand.u32 $0x1F, v6  }
0x3e: {  	v6 =	vmul.u32 $0x6400, v8;
	v8 =	vshll.u32 v15, $0x8;
	v15 =	vor.u32 v11, v4  }
0x3f: {  	v12 =	vshrl.u32 v12, $0x16;
	v5 =	vand.u32 $0x380, v5;
	v14 =	vnsel vm15, $0x0, v14  }
0x40: {  	v16 =	vadd.s32 v16, v20;
	v8 =	vand.u32 $0xFFFFFC00, v8;
	v20 =	vmin.u32 v14, $0xFF  }
0x41: {  	v5 =	vor.u32 v5, v16;
	v6 =	vadd.s32 v6, v8;
	v8 =	vand.u32 $0x380, v9  }
0x42: {  	v6 =	vor.u32 v2, v6;
	v14 =	vor.u32 v1, v5;
	v5 =	vshll.u32 v10, $0x8  }
0x43: {  	s29 =	simm.s32 $0x3;
	s30 =	simm.s32 $0x2;
	v9 =	vor.u32 v8, v6;
	v8 =	vmul.u32 $0x6400, v12;
	v12 =	vor.u32 v4, v14;
	v10 =	vld.idx.msk [tilespmem:v15+s3+$0x0], $0xffff  }
0x44: {  	v21 =	vadd.s32 s30, v0;
	v6 =	vadd.s32 s29, v0;
	s29 =	simm.s32 $0x1;
	v15 =	vor.u32 v7, v4  }
0x45: {  	v23 =	vand.u32 $0xFFFFFC00, v5;
	v16 =	vand.u32 $0x1F, v6;
	v22 =	vadd.s32 s29, v0  }
0x46: {  	v6 =	vand.u32 $0x1F, v21;
	v25 =	vor.u32 v4, v9;
	v21 =	vor.u32 v11, v16  }
0x47: {  	v5 =	vand.u32 $0x1F, v22;
	v22 =	vor.u32 v11, v6;
	v8 =	vadd.s32 v8, v23  }
0x48: {  	v19 =	vand.u32 $0x380, v19;
	s29 =	simm.s32 $0x4;
	v27 =	vor.u32 v16, v14;
	v23 =	vor.u32 v11, v5;
	[tilespmem:v12+s17+$0x0] =	vst.idx.msk $0xffff, v10  }
0x49: {  	v24 =	vor.u32 v2, v8;
	v8 =	vshrl.u32 v17, $0x16;
	v10 =	vadd.s32 s29, v0;
	v15 =	vld.idx.msk [tilespmem:v15+s3+$0x0], $0xffff  }
0x4a: {  	v28 =	vor.u32 v5, v14;
	v17 =	vmul.u32 $0x6400, v8;
	v8 =	vand.u32 $0x1F, v10  }
0x4b: {  	v21 =	vld.idx.msk [tilespmem:v21+s3+$0x0], $0xffff;
	v12 =	vor.u32 v19, v24;
	v10 =	vshll.u32 v13, $0x8;
	v26 =	vor.u32 v11, v8  }
0x4c: {  	v19 =	vld.idx.msk [tilespmem:v22+s3+$0x0], $0xffff;
	v22 =	vor.u32 v6, v14;
	v24 =	vor.u32 v7, v16;
	v10 =	vand.u32 $0xFFFFFC00, v10  }
0x4d: {  	v23 =	vld.idx.msk [tilespmem:v23+s3+$0x0], $0xffff;
	v10 =	vadd.s32 v17, v10;
	v17 =	vand.u32 $0x380, v18;
	v18 =	vor.u32 v7, v6  }
0x4e: {  	v3 =	vshll.u32 v3, $0x5;
	[tilespmem:v25+s17+$0x0] =	vst.idx.msk $0xffff, v15;
	v15 =	vor.u32 v7, v5  }
0x4f: {  	v31 =	vor.u32 v3, v4;
	v29 =	vor.u32 v16, v9;
	v13 =	vshll.u32 v20, $0x5  }
0x50: {  	v20 =	vor.u32 v3, v6;
	v33 =	vor.u32 v8, v14;
	[tilespmem:v27+s17+$0x0] =	vst.idx.msk $0xffff, v21;
	v32 =	vld.idx.msk [tilespmem:v26+s3+$0x0], $0xffff  }
0x51: {  	v10 =	vor.u32 v2, v10;
	[tilespmem:v22+s17+$0x0] =	vst.idx.msk $0xffff, v19;
	v27 =	vor.u32 v7, v8;
	v21 =	vld.idx.msk [tilespmem:v24+s3+$0x0], $0xffff  }
0x52: {  	v19 =	vor.u32 v3, v16;
	[tilespmem:v28+s17+$0x0] =	vst.idx.msk $0xffff, v23;
	v26 =	vor.u32 v6, v9;
	v22 =	vld.idx.msk [tilespmem:v18+s3+$0x0], $0xffff  }
0x53: {  	s29 =	simm.s32 $0x7;
	v30 =	vor.u32 v4, v12;
	v10 =	vor.u32 v17, v10;
	v28 =	vor.u32 v5, v9;
	v23 =	vld.idx.msk [tilespmem:v15+s3+$0x0], $0xffff  }
0x54: {  	s31 =	simm.s32 $0x6;
	v17 =	vor.u32 v13, v4;
	v25 =	vor.u32 v3, v5;
	v24 =	vld.idx.msk [tilespmem:v31+s3+$0x0], $0xffff;
	v15 =	vadd.s32 s29, v0  }
0x55: {  	s30 =	simm.s32 $0x5;
	v31 =	vadd.s32 s31, v0;
	v18 =	vor.u32 v8, v9;
	s29 =	simm.s32 $0x8;
	[tilespmem:v33+s17+$0x0] =	vst.idx.msk $0xffff, v32;
	v15 =	vand.u32 $0x1F, v15  }
.LBB2_4:
0x56: {  	p1 =	slt.u32 s29, $0x1C;
	v27 =	vld.idx.msk [tilespmem:v27+s3+$0x0], $0xffff;
	v32 =	vadd.s32 s30, v0;
	v31 =	vand.u32 $0x1F, v31;
	v33 =	vor.u32 v11, v15;
	[tilespmem:v29+s17+$0x0] =	vst.idx.msk $0xffff, v21  }
0x57: {  	v21 =	vand.u32 $0x1F, v32;
	v29 =	vor.u32 v11, v31;
	[tilespmem:v26+s17+$0x0] =	vst.idx.msk $0xffff, v22;
	v19 =	vld.idx.msk [tilespmem:v19+s3+$0x0], $0xffff  }
0x58: {  	v22 =	vor.u32 v11, v21;
	[tilespmem:v28+s17+$0x0] =	vst.idx.msk $0xffff, v23;
	v20 =	vld.idx.msk [tilespmem:v20+s3+$0x0], $0xffff;
	v23 =	vor.u32 v16, v12  }
0x59: {  	v26 =	vor.u32 v13, v16;
	[tilespmem:v30+s17+$0x0] =	vst.idx.msk $0xffff, v24;
	v24 =	vld.idx.msk [tilespmem:v25+s3+$0x0], $0xffff;
	v25 =	vor.u32 v6, v12  }
0x5a: {  	v32 =	vor.u32 v13, v6;
	v28 =	vadd.s32 s29, v0;
	v30 =	vor.u32 v5, v12;
	v17 =	vld.idx.msk [tilespmem:v17+s3+$0x0], $0xffff  }
0x5b: {  	v34 =	vor.u32 v4, v10;
	v35 =	vor.u32 v13, v5;
	v4 =	vmovc v8;
	v8 =	vand.u32 $0x1F, v28;
	v33 =	vld.idx.msk [tilespmem:v33+s3+$0x0], $0xffff  }
0x5c: {  	v28 =	vor.u32 v11, v8;
	[tilespmem:v18+s17+$0x0] =	vst.idx.msk $0xffff, v27;
	v18 =	vld.idx.msk [tilespmem:v29+s3+$0x0], $0xffff;
	v27 =	vor.u32 v15, v14  }
0x5d: {  	v36 =	vor.u32 v7, v15;
	v29 =	vor.u32 v31, v14;
	v22 =	vld.idx.msk [tilespmem:v22+s3+$0x0], $0xffff;
	[tilespmem:v23+s17+$0x0] =	vst.idx.msk $0xffff, v19  }
0x5e: {  	v19 =	vor.u32 v21, v14;
	v23 =	vor.u32 v7, v31;
	[tilespmem:v25+s17+$0x0] =	vst.idx.msk $0xffff, v20;
	v20 =	vld.idx.msk [tilespmem:v26+s3+$0x0], $0xffff  }
0x5f: {  	v16 =	vor.u32 v16, v10;
	v25 =	vor.u32 v7, v21;
	[tilespmem:v30+s17+$0x0] =	vst.idx.msk $0xffff, v24;
	v30 =	vld.idx.msk [tilespmem:v32+s3+$0x0], $0xffff  }
0x60: {  	v24 =	vor.u32 v3, v4;
	[tilespmem:v34+s17+$0x0] =	vst.idx.msk $0xffff, v17;
	v32 =	vld.idx.msk [tilespmem:v35+s3+$0x0], $0xffff;
	v34 =	vor.u32 v6, v10  }
0x61: {  	v6 =	vmov v31;
	v35 =	vld.idx.msk [tilespmem:v28+s3+$0x0], $0xffff;
	[tilespmem:v27+s17+$0x0] =	vst.idx.msk $0xffff, v33;
	v33 =	vor.u32 v5, v10;
	v5 =	vmov v21  }
0x62: {  	v31 =	vor.u32 v8, v14;
	v17 =	vor.u32 v13, v4;
	[tilespmem:v29+s17+$0x0] =	vst.idx.msk $0xffff, v18;
	v21 =	vld.idx.msk [tilespmem:v36+s3+$0x0], $0xffff  }
.Ltmp2:
0x63: {  	v27 =	vor.u32 v7, v8;
	v29 =	vor.u32 v15, v9;
	[tilespmem:v19+s17+$0x0] =	vst.idx.msk $0xffff, v22;
	v22 =	vld.idx.msk [tilespmem:v23+s3+$0x0], $0xffff;
	(pc) =	sbr.rel @p1 .LBB2_4-.Ltmp2, $4  }
0x64: {  	v26 =	vor.u32 v6, v9;
	v19 =	vor.u32 v3, v15;
	v23 =	vld.idx.msk [tilespmem:v25+s3+$0x0], $0xffff;
	[tilespmem:v16+s17+$0x0] =	vst.idx.msk $0xffff, v20  }
0x65: {  	s30 =	sadd.s32 $0x3, s29;
	v28 =	vor.u32 v5, v9;
	v20 =	vor.u32 v3, v6;
	v24 =	vld.idx.msk [tilespmem:v24+s3+$0x0], $0xffff;
	[tilespmem:v34+s17+$0x0] =	vst.idx.msk $0xffff, v30  }
0x66: {  	s31 =	sadd.s32 $0x2, s29;
	v25 =	vor.u32 v3, v5;
	v34 =	vadd.s32 s30, v0;
	v30 =	vor.u32 v4, v12;
	[tilespmem:v33+s17+$0x0] =	vst.idx.msk $0xffff, v32  }
0x67: {  	v18 =	vor.u32 v8, v9;
	v16 =	vmovc v15;
	s30 =	sadd.s32 $0x1, s29;
	s29 =	sadd.s32 $0x4, s29;
	v15 =	vand.u32 $0x1F, v34;
	[tilespmem:v31+s17+$0x0] =	vst.idx.msk $0xffff, v35;
	v31 =	vadd.s32 s31, v0  }
0x68: {  	v32 =	vadd.s32 s30, v0;
	v31 =	vand.u32 $0x1F, v31;
	v33 =	vor.u32 v11, v15  }
0x69: {  	v32 =	vand.u32 $0x1F, v32;
	v34 =	vor.u32 v11, v31  }
0x6a: {  	v50 =	vor.u32 v11, v32;
	_ =	sdelay $0x1  }
0x6b: {  	v27 =	vld.idx.msk [tilespmem:v27+s3+$0x0], $0xffff  }
0x6c: {  	[tilespmem:v29+s17+$0x0] =	vst.idx.msk $0xffff, v21;
	v52 =	vor.u32 v15, v14;
	v51 =	vld.idx.msk [tilespmem:v33+s3+$0x0], $0xffff  }
0x6d: {  	[tilespmem:v26+s17+$0x0] =	vst.idx.msk $0xffff, v22;
	v55 =	vor.u32 v7, v15;
	v54 =	vor.u32 v31, v14;
	v53 =	vld.idx.msk [tilespmem:v34+s3+$0x0], $0xffff  }
0x6e: {  	[tilespmem:v28+s17+$0x0] =	vst.idx.msk $0xffff, v23;
	v57 =	vor.u32 v7, v31;
	v56 =	vor.u32 v32, v14;
	v11 =	vld.idx.msk [tilespmem:v50+s3+$0x0], $0xffff  }
0x6f: {  	v58 =	vor.u32 v16, v12;
	v19 =	vld.idx.msk [tilespmem:v19+s3+$0x0], $0xffff;
	[tilespmem:v30+s17+$0x0] =	vst.idx.msk $0xffff, v24;
	v59 =	vor.u32 v7, v32  }
0x70: {  	v60 =	vor.u32 v6, v12;
	v20 =	vld.idx.msk [tilespmem:v20+s3+$0x0], $0xffff;
	[tilespmem:v18+s17+$0x0] =	vst.idx.msk $0xffff, v27  }
0x71: {  	v63 =	vor.u32 v5, v12;
	v29 =	vor.u32 v3, v8;
	v61 =	vld.idx.msk [tilespmem:v25+s3+$0x0], $0xffff;
	[tilespmem:v52+s17+$0x0] =	vst.idx.msk $0xffff, v51  }
0x72: {  	v62 =	vor.u32 v13, v16;
	v33 =	vor.u32 v15, v9;
	[tilespmem:v54+s17+$0x0] =	vst.idx.msk $0xffff, v53;
	v30 =	vld.idx.msk [tilespmem:v55+s3+$0x0], $0xffff  }
0x73: {  	v36 =	vor.u32 v3, v15;
	v35 =	vor.u32 v31, v9;
	[tilespmem:v56+s17+$0x0] =	vst.idx.msk $0xffff, v11;
	v34 =	vld.idx.msk [tilespmem:v57+s3+$0x0], $0xffff  }
0x74: {  	v38 =	vor.u32 v3, v31;
	v37 =	vor.u32 v32, v9;
	[tilespmem:v58+s17+$0x0] =	vst.idx.msk $0xffff, v19;
	v7 =	vld.idx.msk [tilespmem:v59+s3+$0x0], $0xffff  }
0x75: {  	v4 =	vor.u32 v4, v10;
	v3 =	vor.u32 v3, v32;
	v17 =	vld.idx.msk [tilespmem:v17+s3+$0x0], $0xffff;
	[tilespmem:v60+s17+$0x0] =	vst.idx.msk $0xffff, v20  }
0x76: {  	v39 =	vor.u32 v13, v6;
	v43 =	vor.u32 v8, v12;
	v21 =	vld.idx.msk [tilespmem:v29+s3+$0x0], $0xffff;
	[tilespmem:v63+s17+$0x0] =	vst.idx.msk $0xffff, v61  }
0x77: {  	v41 =	vor.u32 v16, v10;
	v42 =	vor.u32 v13, v5;
	v40 =	vld.idx.msk [tilespmem:v62+s3+$0x0], $0xffff;
	[tilespmem:v33+s17+$0x0] =	vst.idx.msk $0xffff, v30  }
0x78: {  	v44 =	vor.u32 v13, v8;
	v46 =	vor.u32 v15, v12;
	[tilespmem:v35+s17+$0x0] =	vst.idx.msk $0xffff, v34;
	v45 =	vld.idx.msk [tilespmem:v36+s3+$0x0], $0xffff  }
0x79: {  	v49 =	vor.u32 v13, v15;
	v48 =	vor.u32 v31, v12;
	[tilespmem:v37+s17+$0x0] =	vst.idx.msk $0xffff, v7;
	v47 =	vld.idx.msk [tilespmem:v38+s3+$0x0], $0xffff  }
0x7a: {  	v50 =	vor.u32 v32, v12;
	[tilespmem:v4+s17+$0x0] =	vst.idx.msk $0xffff, v17;
	v51 =	vor.u32 v13, v31;
	v3 =	vld.idx.msk [tilespmem:v3+s3+$0x0], $0xffff  }
0x7b: {  	v52 =	vld.idx.msk [tilespmem:v39+s3+$0x0], $0xffff;
	v53 =	vor.u32 v6, v10;
	v54 =	vor.u32 v13, v32;
	[tilespmem:v43+s17+$0x0] =	vst.idx.msk $0xffff, v21  }
0x7c: {  	v55 =	vld.idx.msk [tilespmem:v42+s3+$0x0], $0xffff;
	[tilespmem:v41+s17+$0x0] =	vst.idx.msk $0xffff, v40;
	v56 =	vor.u32 v5, v10  }
0x7d: {  	v58 =	vor.u32 v8, v10;
	v57 =	vld.idx.msk [tilespmem:v44+s3+$0x0], $0xffff;
	[tilespmem:v46+s17+$0x0] =	vst.idx.msk $0xffff, v45  }
0x7e: {  	v60 =	vor.u32 v15, v10;
	[tilespmem:v48+s17+$0x0] =	vst.idx.msk $0xffff, v47;
	v59 =	vld.idx.msk [tilespmem:v49+s3+$0x0], $0xffff  }
0x7f: {  	s28 =	sadd.s32 $0x1, s28;
	v61 =	vor.u32 v31, v10;
	[tilespmem:v50+s17+$0x0] =	vst.idx.msk $0xffff, v3;
	v3 =	vld.idx.msk [tilespmem:v51+s3+$0x0], $0xffff  }
0x80: {  	p1 =	sne.s32 s28, $0x19;
	v63 =	vor.u32 v32, v10;
	[tilespmem:v53+s17+$0x0] =	vst.idx.msk $0xffff, v52;
	v62 =	vld.idx.msk [tilespmem:v54+s3+$0x0], $0xffff  }
.Ltmp3:
0x81: {  	[tilespmem:v56+s17+$0x0] =	vst.idx.msk $0xffff, v55;
	(pc) =	sbr.rel @p1 .LBB2_3-.Ltmp3, $4  }
0x82: {  	[tilespmem:v58+s17+$0x0] =	vst.idx.msk $0xffff, v57  }
0x83: {  	[tilespmem:v60+s17+$0x0] =	vst.idx.msk $0xffff, v59  }
0x84: {  	[tilespmem:v61+s17+$0x0] =	vst.idx.msk $0xffff, v3  }
0x85: {  	[tilespmem:v63+s17+$0x0] =	vst.idx.msk $0xffff, v62  }
0x86: {  	p1 =	sne.s32 s23, $0xF  }
.Ltmp4:
0x87: {  	s25 =	sshrl.u32 s25, $0x3;
	(pc) =	sbr.rel @p1 .LBB2_8-.Ltmp4, $3  }
0x88: {  	s25 =	smul.u32 $0xC80, s25;
	_ =	sdelay $0x1  }
0x89: {  	s26 =	sadd.s32 s2, s25  }
0x8a: {  	[hbm4b:s26+s3] =	stream.linear.scatter [tilespmem:s17], [sflag:$0x3], $0xC800, $0x38;
	[tilespmem:$0x1C000] =	vst v63  }
.Ltmp5:
0x8b: {  	(pc) =	sbr.rel .LBB2_9-.Ltmp5, $4  }
0x8c: {  	_ = 	snop  }
0x8d: {  	_ =	swait.ge [sflag:s18], $0x800  }
0x8e: {  	[sflag:s18] =	ssyncset.done $0x0  }
0x8f: {  	[sflag:s18] =	ssyncadd.s32 $0xFFFFF800  }
.LBB2_8:
0x90: {  	s26 =	sadd.s32 s24, s9  }
0x91: {  	s26 =	sshll.u32 s26, $0x4  }
.Ltmp6:
0x92: {  	s26 =	sadd.s32 s5, s26;
	(pc) =	sbr.rel @p0 .LBB2_10-.Ltmp6, $4  }
0x93: {  	[tilespmem:s14], [sflag:$0x1] =	stream.linear.gather [hbm4b:s26+s3], $0x800, $0x38;
	[tilespmem:$0x1C000] =	vst v63  }
0x94: {  	_ =	swait.ge [sflag:s18], $0x800  }
0x95: {  	[sflag:s18] =	ssyncset.done $0x0  }
0x96: {  	[sflag:s18] =	ssyncadd.s32 $0xFFFFF800  }
.LBB2_9:
0x97: {  	_ =	swait.ge [sflag:s19], $0xC800  }
0x98: {  	[sflag:s19] =	ssyncset.done $0x0  }
0x99: {  	[sflag:s19] =	ssyncadd.s32 $0xFFFF3800  }
.LBB2_10:
0x9a: {  	s26 =	simm.s32 $0x0;
	s28 =	simm.s32 $0x0  }
.LBB2_11:
0x9b: {  	s29 =	sshll.u32 s28, $0x6  }
0x9c: {  	v3 =	vor.u32 s29, v0  }
0x9d: {  	s30 =	sor.u32 $0x10, s29;
	v4 =	vmul.u32 $0x147B, v3  }
0x9e: {  	v7 =	vor.u32 s30, v0  }
0x9f: {  	s30 =	sor.u32 $0x20, s29;
	v8 =	vmul.u32 $0x147B, v7;
	v5 =	vshrl.u32 v4, $0x13  }
0xa0: {  	s29 =	sor.u32 $0x30, s29;
	v10 =	vor.u32 s30, v0;
	v6 =	vmul.u32 $0xFFFFFF9C, v5  }
0xa1: {  	v14 =	vor.u32 s29, v0;
	v12 =	vmul.u32 $0x147B, v10;
	v9 =	vshrl.u32 v8, $0x13  }
0xa2: {  	v17 =	vmul.u32 $0x147B, v14;
	v11 =	vmul.u32 $0xFFFFFF9C, v9;
	v6 =	vadd.s32 v3, v6  }
0xa3: {  	v5 =	vshll.u32 v5, $0x7;
	v3 =	vand.u32 $0xFFFFFF80, v6;
	v13 =	vand.u32 $0x7F, v6  }
0xa4: {  	v15 =	vadd.s32 v7, v11;
	v7 =	vshrl.u32 v12, $0x13;
	v3 =	vadd.s32 v5, v3  }
0xa5: {  	v3 =	vor.u32 v13, v3;
	v13 =	vmul.u32 $0xFFFFFF9C, v7  }
0xa6: {  	v9 =	vshll.u32 v9, $0x7;
	v18 =	vshrl.u32 v17, $0x13;
	v11 =	vand.u32 $0xFFFFFF80, v15  }
0xa7: {  	v16 =	vand.u32 $0x7F, v15;
	v11 =	vadd.s32 v9, v11;
	v10 =	vadd.s32 v10, v13  }
0xa8: {  	v19 =	vshll.u32 v7, $0x7;
	v11 =	vor.u32 v16, v11;
	v16 =	vand.u32 $0xFFFFFF80, v10  }
0xa9: {  	v13 =	vmul.u32 $0xFFFFFF9C, v18;
	v7 =	vand.u32 $0x7F, v10;
	v16 =	vadd.s32 v19, v16  }
0xaa: {  	v7 =	vor.u32 v7, v16  }
0xab: {  	v13 =	vadd.s32 v14, v13  }
0xac: {  	v18 =	vshll.u32 v18, $0x7;
	v14 =	vand.u32 $0xFFFFFF80, v13  }
0xad: {  	v16 =	vand.u32 $0x7F, v13;
	v3 =	vld.idx.msk [tilespmem:v3+s15+$0x0], $0xffff;
	v14 =	vadd.s32 v18, v14  }
0xae: {  	v11 =	vld.idx.msk [tilespmem:v11+s15+$0x0], $0xffff;
	v14 =	vor.u32 v16, v14  }
0xaf: {  	v7 =	vld.idx.msk [tilespmem:v7+s15+$0x0], $0xffff;
	_ =	sdelay $0x2  }
0xb0: {  	vm0 =	vgt.s32 v3, $0x0  }
0xb1: {  	v4 =	vshrl.u32 v4, $0x16;
	v3 =	vnsel vm0, $0x0, v3;
	vm13 =	vgt.s32 v11, $0x0;
	v14 =	vld.idx.msk [tilespmem:v14+s15+$0x0], $0xffff  }
0xb2: {  	v3 =	vmin.u32 v3, $0xFF;
	v16 =	vnsel vm13, $0x0, v11;
	vm14 =	vgt.s32 v7, $0x0  }
0xb3: {  	v11 =	vshll.u32 v3, $0x5;
	v3 =	vmin.u32 v16, $0xFF;
	v16 =	vnsel vm14, $0x0, v7  }
0xb4: {  	v8 =	vshrl.u32 v8, $0x16;
	v7 =	vshll.u32 v3, $0x5;
	v3 =	vmin.u32 v16, $0xFF  }
0xb5: {  	v16 =	vmul.u32 $0x6400, v4;
	v4 =	vshll.u32 v6, $0x8;
	v6 =	vadd.s32 s26, v0  }
0xb6: {  	vm15 =	vgt.s32 v14, $0x0;
	v20 =	vand.u32 $0xFFFFFC00, v4;
	v4 =	vand.u32 $0x1F, v6  }
0xb7: {  	v6 =	vmul.u32 $0x6400, v8;
	v8 =	vshll.u32 v15, $0x8;
	v15 =	vor.u32 v11, v4  }
0xb8: {  	v12 =	vshrl.u32 v12, $0x16;
	v5 =	vand.u32 $0x380, v5;
	v14 =	vnsel vm15, $0x0, v14  }
0xb9: {  	v16 =	vadd.s32 v16, v20;
	v8 =	vand.u32 $0xFFFFFC00, v8;
	v20 =	vmin.u32 v14, $0xFF  }
0xba: {  	v5 =	vor.u32 v5, v16;
	v6 =	vadd.s32 v6, v8;
	v8 =	vand.u32 $0x380, v9  }
0xbb: {  	v6 =	vor.u32 v2, v6;
	v14 =	vor.u32 v1, v5;
	v5 =	vshll.u32 v10, $0x8  }
0xbc: {  	s29 =	simm.s32 $0x3;
	s30 =	simm.s32 $0x2;
	v9 =	vor.u32 v8, v6;
	v8 =	vmul.u32 $0x6400, v12;
	v12 =	vor.u32 v4, v14;
	v10 =	vld.idx.msk [tilespmem:v15+s3+$0x0], $0xffff  }
0xbd: {  	v21 =	vadd.s32 s30, v0;
	v6 =	vadd.s32 s29, v0;
	s29 =	simm.s32 $0x1;
	v15 =	vor.u32 v7, v4  }
0xbe: {  	v23 =	vand.u32 $0xFFFFFC00, v5;
	v16 =	vand.u32 $0x1F, v6;
	v22 =	vadd.s32 s29, v0  }
0xbf: {  	v6 =	vand.u32 $0x1F, v21;
	v25 =	vor.u32 v4, v9;
	v21 =	vor.u32 v11, v16  }
0xc0: {  	v5 =	vand.u32 $0x1F, v22;
	v22 =	vor.u32 v11, v6;
	v8 =	vadd.s32 v8, v23  }
0xc1: {  	v19 =	vand.u32 $0x380, v19;
	s29 =	simm.s32 $0x4;
	v27 =	vor.u32 v16, v14;
	v23 =	vor.u32 v11, v5;
	[tilespmem:v12+s20+$0x0] =	vst.idx.msk $0xffff, v10  }
0xc2: {  	v24 =	vor.u32 v2, v8;
	v8 =	vshrl.u32 v17, $0x16;
	v10 =	vadd.s32 s29, v0;
	v15 =	vld.idx.msk [tilespmem:v15+s3+$0x0], $0xffff  }
0xc3: {  	v28 =	vor.u32 v5, v14;
	v17 =	vmul.u32 $0x6400, v8;
	v8 =	vand.u32 $0x1F, v10  }
0xc4: {  	v21 =	vld.idx.msk [tilespmem:v21+s3+$0x0], $0xffff;
	v12 =	vor.u32 v19, v24;
	v10 =	vshll.u32 v13, $0x8;
	v26 =	vor.u32 v11, v8  }
0xc5: {  	v19 =	vld.idx.msk [tilespmem:v22+s3+$0x0], $0xffff;
	v22 =	vor.u32 v6, v14;
	v24 =	vor.u32 v7, v16;
	v10 =	vand.u32 $0xFFFFFC00, v10  }
0xc6: {  	v23 =	vld.idx.msk [tilespmem:v23+s3+$0x0], $0xffff;
	v10 =	vadd.s32 v17, v10;
	v17 =	vand.u32 $0x380, v18;
	v18 =	vor.u32 v7, v6  }
0xc7: {  	v3 =	vshll.u32 v3, $0x5;
	[tilespmem:v25+s20+$0x0] =	vst.idx.msk $0xffff, v15;
	v15 =	vor.u32 v7, v5  }
0xc8: {  	v31 =	vor.u32 v3, v4;
	v29 =	vor.u32 v16, v9;
	v13 =	vshll.u32 v20, $0x5  }
0xc9: {  	v20 =	vor.u32 v3, v6;
	v33 =	vor.u32 v8, v14;
	[tilespmem:v27+s20+$0x0] =	vst.idx.msk $0xffff, v21;
	v32 =	vld.idx.msk [tilespmem:v26+s3+$0x0], $0xffff  }
0xca: {  	v10 =	vor.u32 v2, v10;
	[tilespmem:v22+s20+$0x0] =	vst.idx.msk $0xffff, v19;
	v27 =	vor.u32 v7, v8;
	v21 =	vld.idx.msk [tilespmem:v24+s3+$0x0], $0xffff  }
0xcb: {  	v19 =	vor.u32 v3, v16;
	[tilespmem:v28+s20+$0x0] =	vst.idx.msk $0xffff, v23;
	v26 =	vor.u32 v6, v9;
	v22 =	vld.idx.msk [tilespmem:v18+s3+$0x0], $0xffff  }
0xcc: {  	s29 =	simm.s32 $0x7;
	v30 =	vor.u32 v4, v12;
	v10 =	vor.u32 v17, v10;
	v28 =	vor.u32 v5, v9;
	v23 =	vld.idx.msk [tilespmem:v15+s3+$0x0], $0xffff  }
0xcd: {  	s31 =	simm.s32 $0x6;
	v17 =	vor.u32 v13, v4;
	v25 =	vor.u32 v3, v5;
	v24 =	vld.idx.msk [tilespmem:v31+s3+$0x0], $0xffff;
	v15 =	vadd.s32 s29, v0  }
0xce: {  	s30 =	simm.s32 $0x5;
	v31 =	vadd.s32 s31, v0;
	v18 =	vor.u32 v8, v9;
	s29 =	simm.s32 $0x8;
	[tilespmem:v33+s20+$0x0] =	vst.idx.msk $0xffff, v32;
	v15 =	vand.u32 $0x1F, v15  }
.LBB2_12:
0xcf: {  	p0 =	slt.u32 s29, $0x1C;
	v27 =	vld.idx.msk [tilespmem:v27+s3+$0x0], $0xffff;
	v32 =	vadd.s32 s30, v0;
	v31 =	vand.u32 $0x1F, v31;
	v33 =	vor.u32 v11, v15;
	[tilespmem:v29+s20+$0x0] =	vst.idx.msk $0xffff, v21  }
0xd0: {  	v21 =	vand.u32 $0x1F, v32;
	v29 =	vor.u32 v11, v31;
	[tilespmem:v26+s20+$0x0] =	vst.idx.msk $0xffff, v22;
	v19 =	vld.idx.msk [tilespmem:v19+s3+$0x0], $0xffff  }
0xd1: {  	v22 =	vor.u32 v11, v21;
	[tilespmem:v28+s20+$0x0] =	vst.idx.msk $0xffff, v23;
	v20 =	vld.idx.msk [tilespmem:v20+s3+$0x0], $0xffff;
	v23 =	vor.u32 v16, v12  }
0xd2: {  	v26 =	vor.u32 v13, v16;
	[tilespmem:v30+s20+$0x0] =	vst.idx.msk $0xffff, v24;
	v24 =	vld.idx.msk [tilespmem:v25+s3+$0x0], $0xffff;
	v25 =	vor.u32 v6, v12  }
0xd3: {  	v32 =	vor.u32 v13, v6;
	v28 =	vadd.s32 s29, v0;
	v30 =	vor.u32 v5, v12;
	v17 =	vld.idx.msk [tilespmem:v17+s3+$0x0], $0xffff  }
0xd4: {  	v34 =	vor.u32 v4, v10;
	v35 =	vor.u32 v13, v5;
	v4 =	vmovc v8;
	v8 =	vand.u32 $0x1F, v28;
	v33 =	vld.idx.msk [tilespmem:v33+s3+$0x0], $0xffff  }
0xd5: {  	v28 =	vor.u32 v11, v8;
	[tilespmem:v18+s20+$0x0] =	vst.idx.msk $0xffff, v27;
	v18 =	vld.idx.msk [tilespmem:v29+s3+$0x0], $0xffff;
	v27 =	vor.u32 v15, v14  }
0xd6: {  	v36 =	vor.u32 v7, v15;
	v29 =	vor.u32 v31, v14;
	v22 =	vld.idx.msk [tilespmem:v22+s3+$0x0], $0xffff;
	[tilespmem:v23+s20+$0x0] =	vst.idx.msk $0xffff, v19  }
0xd7: {  	v19 =	vor.u32 v21, v14;
	v23 =	vor.u32 v7, v31;
	[tilespmem:v25+s20+$0x0] =	vst.idx.msk $0xffff, v20;
	v20 =	vld.idx.msk [tilespmem:v26+s3+$0x0], $0xffff  }
0xd8: {  	v16 =	vor.u32 v16, v10;
	v25 =	vor.u32 v7, v21;
	[tilespmem:v30+s20+$0x0] =	vst.idx.msk $0xffff, v24;
	v30 =	vld.idx.msk [tilespmem:v32+s3+$0x0], $0xffff  }
0xd9: {  	v24 =	vor.u32 v3, v4;
	[tilespmem:v34+s20+$0x0] =	vst.idx.msk $0xffff, v17;
	v32 =	vld.idx.msk [tilespmem:v35+s3+$0x0], $0xffff;
	v34 =	vor.u32 v6, v10  }
0xda: {  	v6 =	vmov v31;
	v35 =	vld.idx.msk [tilespmem:v28+s3+$0x0], $0xffff;
	[tilespmem:v27+s20+$0x0] =	vst.idx.msk $0xffff, v33;
	v33 =	vor.u32 v5, v10;
	v5 =	vmov v21  }
0xdb: {  	v31 =	vor.u32 v8, v14;
	v17 =	vor.u32 v13, v4;
	[tilespmem:v29+s20+$0x0] =	vst.idx.msk $0xffff, v18;
	v21 =	vld.idx.msk [tilespmem:v36+s3+$0x0], $0xffff  }
.Ltmp7:
0xdc: {  	v27 =	vor.u32 v7, v8;
	v29 =	vor.u32 v15, v9;
	[tilespmem:v19+s20+$0x0] =	vst.idx.msk $0xffff, v22;
	v22 =	vld.idx.msk [tilespmem:v23+s3+$0x0], $0xffff;
	(pc) =	sbr.rel @p0 .LBB2_12-.Ltmp7, $4  }
0xdd: {  	v26 =	vor.u32 v6, v9;
	v19 =	vor.u32 v3, v15;
	v23 =	vld.idx.msk [tilespmem:v25+s3+$0x0], $0xffff;
	[tilespmem:v16+s20+$0x0] =	vst.idx.msk $0xffff, v20  }
0xde: {  	s30 =	sadd.s32 $0x3, s29;
	v28 =	vor.u32 v5, v9;
	v20 =	vor.u32 v3, v6;
	v24 =	vld.idx.msk [tilespmem:v24+s3+$0x0], $0xffff;
	[tilespmem:v34+s20+$0x0] =	vst.idx.msk $0xffff, v30  }
0xdf: {  	s31 =	sadd.s32 $0x2, s29;
	v25 =	vor.u32 v3, v5;
	v34 =	vadd.s32 s30, v0;
	v30 =	vor.u32 v4, v12;
	[tilespmem:v33+s20+$0x0] =	vst.idx.msk $0xffff, v32  }
0xe0: {  	v18 =	vor.u32 v8, v9;
	v16 =	vmovc v15;
	s30 =	sadd.s32 $0x1, s29;
	s29 =	sadd.s32 $0x4, s29;
	v15 =	vand.u32 $0x1F, v34;
	[tilespmem:v31+s20+$0x0] =	vst.idx.msk $0xffff, v35;
	v31 =	vadd.s32 s31, v0  }
0xe1: {  	v32 =	vadd.s32 s30, v0;
	v31 =	vand.u32 $0x1F, v31;
	v33 =	vor.u32 v11, v15  }
0xe2: {  	v32 =	vand.u32 $0x1F, v32;
	v34 =	vor.u32 v11, v31  }
0xe3: {  	v50 =	vor.u32 v11, v32;
	_ =	sdelay $0x1  }
0xe4: {  	v27 =	vld.idx.msk [tilespmem:v27+s3+$0x0], $0xffff  }
0xe5: {  	[tilespmem:v29+s20+$0x0] =	vst.idx.msk $0xffff, v21;
	v52 =	vor.u32 v15, v14;
	v51 =	vld.idx.msk [tilespmem:v33+s3+$0x0], $0xffff  }
0xe6: {  	[tilespmem:v26+s20+$0x0] =	vst.idx.msk $0xffff, v22;
	v55 =	vor.u32 v7, v15;
	v54 =	vor.u32 v31, v14;
	v53 =	vld.idx.msk [tilespmem:v34+s3+$0x0], $0xffff  }
0xe7: {  	[tilespmem:v28+s20+$0x0] =	vst.idx.msk $0xffff, v23;
	v57 =	vor.u32 v7, v31;
	v56 =	vor.u32 v32, v14;
	v11 =	vld.idx.msk [tilespmem:v50+s3+$0x0], $0xffff  }
0xe8: {  	v58 =	vor.u32 v16, v12;
	v19 =	vld.idx.msk [tilespmem:v19+s3+$0x0], $0xffff;
	[tilespmem:v30+s20+$0x0] =	vst.idx.msk $0xffff, v24;
	v59 =	vor.u32 v7, v32  }
0xe9: {  	v60 =	vor.u32 v6, v12;
	v20 =	vld.idx.msk [tilespmem:v20+s3+$0x0], $0xffff;
	[tilespmem:v18+s20+$0x0] =	vst.idx.msk $0xffff, v27  }
0xea: {  	v63 =	vor.u32 v5, v12;
	v29 =	vor.u32 v3, v8;
	v61 =	vld.idx.msk [tilespmem:v25+s3+$0x0], $0xffff;
	[tilespmem:v52+s20+$0x0] =	vst.idx.msk $0xffff, v51  }
0xeb: {  	v62 =	vor.u32 v13, v16;
	v33 =	vor.u32 v15, v9;
	[tilespmem:v54+s20+$0x0] =	vst.idx.msk $0xffff, v53;
	v30 =	vld.idx.msk [tilespmem:v55+s3+$0x0], $0xffff  }
0xec: {  	v36 =	vor.u32 v3, v15;
	v35 =	vor.u32 v31, v9;
	[tilespmem:v56+s20+$0x0] =	vst.idx.msk $0xffff, v11;
	v34 =	vld.idx.msk [tilespmem:v57+s3+$0x0], $0xffff  }
0xed: {  	v38 =	vor.u32 v3, v31;
	v37 =	vor.u32 v32, v9;
	[tilespmem:v58+s20+$0x0] =	vst.idx.msk $0xffff, v19;
	v7 =	vld.idx.msk [tilespmem:v59+s3+$0x0], $0xffff  }
0xee: {  	v4 =	vor.u32 v4, v10;
	v3 =	vor.u32 v3, v32;
	v17 =	vld.idx.msk [tilespmem:v17+s3+$0x0], $0xffff;
	[tilespmem:v60+s20+$0x0] =	vst.idx.msk $0xffff, v20  }
0xef: {  	v39 =	vor.u32 v13, v6;
	v43 =	vor.u32 v8, v12;
	v21 =	vld.idx.msk [tilespmem:v29+s3+$0x0], $0xffff;
	[tilespmem:v63+s20+$0x0] =	vst.idx.msk $0xffff, v61  }
0xf0: {  	v41 =	vor.u32 v16, v10;
	v42 =	vor.u32 v13, v5;
	v40 =	vld.idx.msk [tilespmem:v62+s3+$0x0], $0xffff;
	[tilespmem:v33+s20+$0x0] =	vst.idx.msk $0xffff, v30  }
0xf1: {  	v44 =	vor.u32 v13, v8;
	v46 =	vor.u32 v15, v12;
	[tilespmem:v35+s20+$0x0] =	vst.idx.msk $0xffff, v34;
	v45 =	vld.idx.msk [tilespmem:v36+s3+$0x0], $0xffff  }
0xf2: {  	v49 =	vor.u32 v13, v15;
	v48 =	vor.u32 v31, v12;
	[tilespmem:v37+s20+$0x0] =	vst.idx.msk $0xffff, v7;
	v47 =	vld.idx.msk [tilespmem:v38+s3+$0x0], $0xffff  }
0xf3: {  	v50 =	vor.u32 v32, v12;
	[tilespmem:v4+s20+$0x0] =	vst.idx.msk $0xffff, v17;
	v51 =	vor.u32 v13, v31;
	v3 =	vld.idx.msk [tilespmem:v3+s3+$0x0], $0xffff  }
0xf4: {  	v52 =	vld.idx.msk [tilespmem:v39+s3+$0x0], $0xffff;
	v53 =	vor.u32 v6, v10;
	v54 =	vor.u32 v13, v32;
	[tilespmem:v43+s20+$0x0] =	vst.idx.msk $0xffff, v21  }
0xf5: {  	v55 =	vld.idx.msk [tilespmem:v42+s3+$0x0], $0xffff;
	[tilespmem:v41+s20+$0x0] =	vst.idx.msk $0xffff, v40;
	v56 =	vor.u32 v5, v10  }
0xf6: {  	v58 =	vor.u32 v8, v10;
	v57 =	vld.idx.msk [tilespmem:v44+s3+$0x0], $0xffff;
	[tilespmem:v46+s20+$0x0] =	vst.idx.msk $0xffff, v45  }
0xf7: {  	v60 =	vor.u32 v15, v10;
	[tilespmem:v48+s20+$0x0] =	vst.idx.msk $0xffff, v47;
	v59 =	vld.idx.msk [tilespmem:v49+s3+$0x0], $0xffff  }
0xf8: {  	s28 =	sadd.s32 $0x1, s28;
	v61 =	vor.u32 v31, v10;
	[tilespmem:v50+s20+$0x0] =	vst.idx.msk $0xffff, v3;
	v3 =	vld.idx.msk [tilespmem:v51+s3+$0x0], $0xffff  }
0xf9: {  	p0 =	sne.s32 s28, $0x19;
	v63 =	vor.u32 v32, v10;
	[tilespmem:v53+s20+$0x0] =	vst.idx.msk $0xffff, v52;
	v62 =	vld.idx.msk [tilespmem:v54+s3+$0x0], $0xffff  }
.Ltmp8:
0xfa: {  	[tilespmem:v56+s20+$0x0] =	vst.idx.msk $0xffff, v55;
	(pc) =	sbr.rel @p0 .LBB2_11-.Ltmp8, $4  }
0xfb: {  	[tilespmem:v58+s20+$0x0] =	vst.idx.msk $0xffff, v57  }
0xfc: {  	[tilespmem:v60+s20+$0x0] =	vst.idx.msk $0xffff, v59  }
0xfd: {  	[tilespmem:v61+s20+$0x0] =	vst.idx.msk $0xffff, v3  }
0xfe: {  	[tilespmem:v63+s20+$0x0] =	vst.idx.msk $0xffff, v62  }
0xff: {  	p0 =	seq.s32 s23, $0xF  }
.Ltmp9:
0x100: {  	_ = 	snop;
	(pc) =	sbr.rel @p0 .LBB2_16-.Ltmp9, $3  }
0x101: {  	_ =	sdelay $0x1  }
0x102: {  	s25 =	sadd.s32 s12, s25  }
0x103: {  	[hbm4b:s25+s3] =	stream.linear.scatter [tilespmem:s20], [sflag:$0x4], $0xC800, $0x38;
	[tilespmem:$0x1C000] =	vst v63  }
.Ltmp10:
0x104: {  	(pc) =	sbr.rel .LBB2_2-.Ltmp10, $4  }
0x105: {  	s24 =	sadd.s32 s24, s10  }
0x106: {  	s24 =	sshll.u32 s24, $0x4  }
0x107: {  	s23 =	sadd.s32 $0x1, s23;
	s24 =	sadd.s32 s5, s24  }
0x108: {  	[tilespmem:s15], [sflag:$0x2] =	stream.linear.gather [hbm4b:s24+s3], $0x800, $0x38;
	[tilespmem:$0x1C000] =	vst v63  }
.LBB2_17:
0x109: {  	_ =	sfence.sel $0x180000  }
0x10a: {  	[bflag:$0x0] =	sbarrier.arrive $0xFFFF  }
0x10b: {  	p0 =	sne.s32 s1, $0x0;
	_ =	strace $0x90000047  }
0x10c: {  	s0 =	sadd.s32 @!p0 $0x100000, s0;
	[bflag:$0x2] =	sbarrier.arrive $0xFFFF  }
0x10d: {  	[sflag:s0] =	ssyncadd.tile.s32 @!p0 $0x1;
	_ =	shalt  }
.Lfunc_end2:
_tile_overlayer_lowered:
.L_overlay_start_2:
0x10e: {  	(tag) =	ssettag $0x2  }
0x10f: {  	s0 =	rddreg [dreg:$0x0];
	s2 =	stileid.u32  }
0x110: {  	s1 =	rddreg [dreg:$0x1];
	p0 =	sne.s32 s2, $0x0  }
0x111: {  	s3 =	rddreg [dreg:$0x2];
	[bflag:$0x3] =	sbarrier.arrive $0xFFFF;
	s2 =	simm.s32 @!p0 $0x1C05  }
0x112: {  	[timem:s3], [sflag:s2] =	dma.local @!p0 [hbm:s0], s1  }
0x113: {  	s0 =	simm.s32 @!p0 $0x5  }
0x114: {  	_ =	swait.ge @!p0 [sflag:s0], s1  }
0x115: {  	s1 =	ssub.s32 @!p0 $0x0, s1;
	[sflag:s0] =	ssyncset.done @!p0 $0x0  }
0x116: {  	[sflag:s0] =	ssyncadd.s32 @!p0 s1  }
0x117: {  	[bflag:$0x3] =	sbarrier.arrive $0xFFFF  }
0x118: {  	_ =	shalt  }

</sc_bundles>
